<compile_context>
chip_gen: v7x
topology: tpu7x:2x2x1
jax: 0.10.2.dev20260603
libtpu: 0.0.44.dev20260713+nightly
codegen_flags: <defaults>
</compile_context>

<pallas_src>
import functools

import jax
import jax.numpy as jnp
from jax import lax
from jax.experimental import pallas as pl
from jax.experimental.pallas import tpu as pltpu
from jax.experimental.pallas import tpu_sc as plsc

ITEM_NUM = 100000
VDIM = 512
HID = 128
B = 1024
HL = 50

NC, NS = 2, 16
NW = NC * NS
N_HIST = B * HL
N_ROWS_RAW = 2 * N_HIST + 3 * B
N_ROWS = 106496
CHUNK = 104

BB = 64
NB = B // BB


@functools.lru_cache(maxsize=None)
def _make_gather(n_rows, chunk):
    rows_per_w = n_rows // NW
    n_chunks = rows_per_w // chunk
    assert rows_per_w % chunk == 0 and n_chunks % 2 == 0

    def body(table_hbm, idx_hbm, out_hbm, idxw, rows0, rows1,
             sem0, sem1):
        wid = lax.axis_index("s") * NC + lax.axis_index("c")
        base = wid * rows_per_w
        rows_v = (rows0, rows1)
        sems = (sem0, sem1)
        pltpu.sync_copy(idx_hbm.at[pl.ds(base, rows_per_w)], idxw)

        def start(j, b):
            pltpu.async_copy(
                table_hbm.at[idxw.at[pl.ds(j * chunk, chunk)]],
                rows_v[b], sems[b])

        start(0, 0)
        start(1, 1)

        def outer(t, carry):
            j0 = t * 2
            for b in range(2):
                j = j0 + b
                pltpu.make_async_copy(
                    table_hbm.at[idxw.at[pl.ds(j * chunk, chunk)]],
                    rows_v[b], sems[b]).wait()
                pltpu.sync_copy(rows_v[b],
                                out_hbm.at[pl.ds(base + j * chunk, chunk)])

                @pl.when(j + 2 < n_chunks)
                def _():
                    start(j + 2, b)
            return carry

        lax.fori_loop(0, n_chunks // 2, outer, 0)

    mesh = plsc.VectorSubcoreMesh(core_axis_name="c", subcore_axis_name="s")
    return functools.partial(
        pl.kernel,
        mesh=mesh,
        out_type=jax.ShapeDtypeStruct((n_rows, VDIM), jnp.float32),
        scratch_types=[
            pltpu.VMEM((rows_per_w,), jnp.int32),
            pltpu.VMEM((chunk, VDIM), jnp.float32),
            pltpu.VMEM((chunk, VDIM), jnp.float32),
            pltpu.SemaphoreType.DMA,
            pltpu.SemaphoreType.DMA,
        ],
    )(body)


def _normed(x):
    n = jnp.sqrt(jnp.sum(x * x, axis=0, keepdims=True))
    return x / jnp.maximum(n, 1e-12)


def _cos_cols(a, b):
    num = jnp.sum(a * b, axis=-1, keepdims=True)
    den = jnp.sqrt(jnp.sum(a * a, axis=-1, keepdims=True)) * jnp.sqrt(
        jnp.sum(b * b, axis=-1, keepdims=True))
    return num / jnp.maximum(den, 1e-8)


def _fused_body(g_ref, w2_ref, b2_ref, gI_ref, gJ_ref, gK_ref, wv_ref,
                bv_ref, ws_ref, bs_ref, w3_ref, b3_ref, out_ref,
                mb_acc, mt_acc):
    h = pl.program_id(0)
    i = pl.program_id(1)
    x = g_ref[...].astype(jnp.bfloat16)
    y = jnp.dot(x, w2_ref[0], preferred_element_type=jnp.float32) + b2_ref[0]
    s = jax.nn.sigmoid(y)
    m = jnp.mean(s.reshape(BB, HL, HID), axis=1)

    @pl.when(h == 0)
    def _():
        mb_acc[pl.ds(i * BB, BB), :] = m

    @pl.when(h == 1)
    def _():
        mt_acc[pl.ds(i * BB, BB), :] = m

    @pl.when((h == 1) & (i == NB - 1))
    def _():
        gI = gI_ref[...].astype(jnp.bfloat16)
        gJ = gJ_ref[...].astype(jnp.bfloat16)
        gK = gK_ref[...].astype(jnp.bfloat16)

        def mlp(xv, w_ref, b_ref):
            yv = jnp.dot(xv, w_ref[...],
                         preferred_element_type=jnp.float32) + b_ref[...]
            return jax.nn.sigmoid(yv)

        I_lat = _normed(mlp(gI, wv_ref, bv_ref))
        J_lat = _normed(mlp(gJ, wv_ref, bv_ref))
        K_lat = _normed(mlp(gK, wv_ref, bv_ref))
        J_p = _normed(mlp(gJ, ws_ref, bs_ref))
        K_p = _normed(mlp(gK, ws_ref, bs_ref))
        J_c = _normed(mlp(gJ, w3_ref, b3_ref))
        K_c = _normed(mlp(gK, w3_ref, b3_ref))
        Mb = _normed(mb_acc[...])
        Mt = _normed(mt_acc[...])

        out_ref[:, 0:1] = _cos_cols(I_lat, J_lat)
        out_ref[:, 1:2] = _cos_cols(I_lat, K_lat)
        out_ref[:, 2:3] = _cos_cols(Mb, J_p)
        out_ref[:, 3:4] = _cos_cols(Mb, K_p)
        out_ref[:, 4:5] = _cos_cols(Mt, J_c)
        out_ref[:, 5:6] = _cos_cols(Mt, K_c)
        out_ref[:, 6:8] = jnp.zeros((B, 2), jnp.float32)


def _fused(g, w2, b2, W_vis, b_vis, W_s, b_s, W_s3, b_s3):
    blk_I = 2 * N_HIST // B
    return pl.pallas_call(
        _fused_body,
        grid=(2, NB),
        in_specs=[
            pl.BlockSpec((BB * HL, VDIM), lambda h, i: (h * NB + i, 0)),
            pl.BlockSpec((1, VDIM, HID), lambda h, i: (h, 0, 0)),
            pl.BlockSpec((1, 1, HID), lambda h, i: (h, 0, 0)),
            pl.BlockSpec((B, VDIM), lambda h, i: (blk_I, 0)),
            pl.BlockSpec((B, VDIM), lambda h, i: (blk_I + 1, 0)),
            pl.BlockSpec((B, VDIM), lambda h, i: (blk_I + 2, 0)),
            pl.BlockSpec((VDIM, HID), lambda h, i: (0, 0)),
            pl.BlockSpec((1, HID), lambda h, i: (0, 0)),
            pl.BlockSpec((VDIM, HID), lambda h, i: (0, 0)),
            pl.BlockSpec((1, HID), lambda h, i: (0, 0)),
            pl.BlockSpec((VDIM, HID), lambda h, i: (0, 0)),
            pl.BlockSpec((1, HID), lambda h, i: (0, 0)),
        ],
        out_specs=pl.BlockSpec((B, 8), lambda h, i: (0, 0)),
        out_shape=jax.ShapeDtypeStruct((B, 8), jnp.float32),
        scratch_shapes=[pltpu.VMEM((B, HID), jnp.float32),
                        pltpu.VMEM((B, HID), jnp.float32)],
    )(g, w2, b2, g, g, g, W_vis, b_vis.reshape(1, HID), W_s,
      b_s.reshape(1, HID), W_s3, b_s3.reshape(1, HID))


def kernel(Us, Is, Js, Ks, bhis, this, tbhis, train, visual_features,
           W_vis, b_vis, W_s, b_s, W_s3, b_s3):
    idx_all = jnp.concatenate([
        bhis.reshape(-1).astype(jnp.int32),
        this.reshape(-1).astype(jnp.int32),
        Is.astype(jnp.int32),
        Js.astype(jnp.int32),
        Ks.astype(jnp.int32),
        jnp.arange(N_ROWS - N_ROWS_RAW, dtype=jnp.int32),
    ])
    g = _make_gather(N_ROWS, CHUNK)(visual_features, idx_all)
    w2 = jnp.stack([W_s, W_s3]).astype(jnp.bfloat16)
    b2 = jnp.stack([b_s, b_s3]).reshape(2, 1, HID)
    out = _fused(g, w2, b2, W_vis.astype(jnp.bfloat16), b_vis,
                 W_s.astype(jnp.bfloat16), b_s,
                 W_s3.astype(jnp.bfloat16), b_s3)
    return out.T[:6]

# --- scband reference (transcript-rebuilt; emitter-appended) ---
"""Pipeline reference for scband-gpbpr-70617852281045 (READ-ONLY COPY).

The authoritative reference and input builder live on the scoring server;
editing this copy changes nothing except your own understanding.
"""

import jax, jax.numpy as jnp
import numpy as np

ITEM_NUM = 100000
USER_NUM = 10000
VDIM = 512
HID = 128
B = 1024
HL = 50


def _mlp(x, W, b):
    return jax.nn.sigmoid(x @ W + b)


def _norm0(x):
    # F.normalize(x, dim=0): normalize across the batch dimension
    return x / jnp.maximum(jnp.linalg.norm(x, axis=0, keepdims=True), 1e-12)


def _cos(a, b):
    num = jnp.sum(a * b, axis=-1)
    den = jnp.maximum(jnp.linalg.norm(a, axis=-1) * jnp.linalg.norm(b, axis=-1), 1e-8)
    return num / den


def setup_inputs(seed: int = 0) -> dict:
    key = jax.random.key(seed)
    ks = jax.random.split(key, 16)
    inp = {}
    inp['Us'] = jax.random.randint(ks[0], (B,), 0, USER_NUM, dtype=jnp.int64 if jax.config.jax_enable_x64 else jnp.int32)
    inp['Is'] = jax.random.randint(ks[1], (B,), 0, ITEM_NUM)
    inp['Js'] = jax.random.randint(ks[2], (B,), 0, ITEM_NUM)
    inp['Ks'] = jax.random.randint(ks[3], (B,), 0, ITEM_NUM)
    inp['bhis'] = jax.random.randint(ks[4], (B, HL), 0, ITEM_NUM)
    inp['this'] = jax.random.randint(ks[5], (B, HL), 0, ITEM_NUM)
    inp['tbhis'] = jax.random.randint(ks[6], (B, HL), 0, ITEM_NUM)
    inp['train'] = 1
    # learned / fixed parameters
    inp['visual_features'] = jax.random.normal(ks[7], (ITEM_NUM, VDIM), dtype=jnp.float32)
    inp['W_vis'] = jax.random.uniform(ks[8], (VDIM, HID), minval=0.0, maxval=0.001, dtype=jnp.float32)
    inp['b_vis'] = jax.random.uniform(ks[9], (HID,), minval=0.0, maxval=0.001, dtype=jnp.float32)
    inp['W_s'] = jax.random.uniform(ks[10], (VDIM, HID), minval=0.0, maxval=0.001, dtype=jnp.float32)
    inp['b_s'] = jax.random.uniform(ks[11], (HID,), minval=0.0, maxval=0.001, dtype=jnp.float32)
    inp['W_s3'] = jax.random.uniform(ks[12], (VDIM, HID), minval=0.0, maxval=0.001, dtype=jnp.float32)
    inp['b_s3'] = jax.random.uniform(ks[13], (HID,), minval=0.0, maxval=0.001, dtype=jnp.float32)
    return inp


def reference(Us, Is, Js, Ks, bhis, this, tbhis, train, visual_features, W_vis, b_vis, W_s, b_s, W_s3, b_s3):
    # visual branch of GPBPR.forward (with_visual=True, with_text=False,
    # with_Nor=True, cos=True, UC=True, IC=True)
    vis_I = jnp.take(visual_features, Is, axis=0)
    vis_J = jnp.take(visual_features, Js, axis=0)
    vis_K = jnp.take(visual_features, Ks, axis=0)

    I_lat = _norm0(_mlp(vis_I, W_vis, b_vis))
    J_lat = _norm0(_mlp(vis_J, W_vis, b_vis))
    K_lat = _norm0(_mlp(vis_K, W_vis, b_vis))

    visual_ij = _cos(I_lat, J_lat)
    visual_ik = _cos(I_lat, K_lat)

    # UC: user purchase-history compatibility
    vis_bhis = jnp.take(visual_features, bhis, axis=0)          # [B, HL, VDIM]
    h_b = _mlp(vis_bhis, W_s, b_s)                              # [B, HL, HID]
    vis_J_p = _mlp(vis_J, W_s, b_s)
    vis_K_p = _mlp(vis_K, W_s, b_s)
    b_his_visual = _norm0(jnp.mean(h_b, axis=-2))
    vis_J_p = _norm0(vis_J_p)
    vis_K_p = _norm0(vis_K_p)
    Visual_BuJ = _cos(b_his_visual, vis_J_p)
    Visual_BuK = _cos(b_his_visual, vis_K_p)

    # IC: item co-occurrence history compatibility
    vis_this = jnp.take(visual_features, this, axis=0)
    h_t = _mlp(vis_this, W_s3, b_s3)
    vis_J_c = _mlp(vis_J, W_s3, b_s3)
    vis_K_c = _mlp(vis_K, W_s3, b_s3)
    t_his_visual = _norm0(jnp.mean(h_t, axis=-2))
    vis_J_c = _norm0(vis_J_c)
    vis_K_c = _norm0(vis_K_c)
    Visual_TuJ = _cos(t_his_visual, vis_J_c)
    Visual_TuK = _cos(t_his_visual, vis_K_c)

    return jnp.stack([visual_ij, visual_ik, Visual_BuJ, Visual_BuK, Visual_TuJ, Visual_TuK], axis=0)

if __name__ == "__main__":
    import jax
    _d = setup_inputs()
    print(jax.jit(kernel)(*tuple(_d.values())))

</pallas_src>

<mosaic_0001>
#map = affine_map<(d0, d1) -> (0, 0)>
#map1 = affine_map<(d0, d1) -> (0)>
module attributes {stable_mosaic.version = 14 : i64} {
  func.func @body(%arg0: i32, %arg1: i32, %arg2: memref<100000x512xf32, #tpu.memory_space<hbm>>, %arg3: memref<106496xi32, #tpu.memory_space<hbm>>, %arg4: memref<106496x512xf32, #tpu.memory_space<hbm>>, %arg5: memref<3328xi32, #tpu.memory_space<vmem>>, %arg6: memref<104x512xf32, #tpu.memory_space<vmem>>, %arg7: memref<104x512xf32, #tpu.memory_space<vmem>>, %arg8: memref<!tpu.dma_semaphore, #tpu.memory_space<semaphore_mem>>, %arg9: memref<!tpu.dma_semaphore, #tpu.memory_space<semaphore_mem>>) attributes {dimension_semantics = [#tpu.dimension_semantics<core_parallel>, #tpu.dimension_semantics<subcore_parallel>], iteration_bounds = array<i64: 2, 16>, scalar_prefetch = 0 : i64, scratch_operands = 5 : i64, tpu.core_type = #tpu.core_type<sc_vector_subcore>, window_params = [{transform_indices = #map}, {transform_indices = #map1}, {transform_indices = #map}]} {
    %mul3A = arith.constant 2 : i32
    %mul3A_0 = arith.muli %arg1, %mul3A : i32
    %add3A = arith.addi %mul3A_0, %arg0 : i32
    %mul3A_1 = arith.constant 3328 : i32
    %mul3A_2 = arith.muli %add3A, %mul3A_1 : i32
    "tpu.region"() ({
      %run_scoped3A = tpu.sem_alloc : memref<!tpu.dma_semaphore, #tpu.memory_space<semaphore_mem>>
      %dma_start3A_17 = tpu.memref_slice %arg3[%mul3A_2] : memref<106496xi32, #tpu.memory_space<hbm>> -> memref<3328xi32, #tpu.memory_space<hbm>>
      %dma_start3A_18 = tpu.memref_slice %arg3[%mul3A_2] : memref<106496xi32, #tpu.memory_space<hbm>> -> memref<3328xi32, #tpu.memory_space<hbm>>
      tpu.enqueue_dma source(%dma_start3A_18 : memref<3328xi32, #tpu.memory_space<hbm>>) target(%arg5 : memref<3328xi32, #tpu.memory_space<vmem>>) target_semaphore(%run_scoped3A : memref<!tpu.dma_semaphore, #tpu.memory_space<semaphore_mem>>)
      %dma_wait3A = tpu.memref_slice %arg3[%mul3A_2] : memref<106496xi32, #tpu.memory_space<hbm>> -> memref<3328xi32, #tpu.memory_space<hbm>>
      %dma_wait3A_19 = tpu.memref_slice %arg3[%mul3A_2] : memref<106496xi32, #tpu.memory_space<hbm>> -> memref<3328xi32, #tpu.memory_space<hbm>>
      tpu.wait_dma2 semaphore(%run_scoped3A : memref<!tpu.dma_semaphore, #tpu.memory_space<semaphore_mem>>) src(%dma_wait3A_19 : memref<3328xi32, #tpu.memory_space<hbm>>) dst(%arg5 : memref<3328xi32, #tpu.memory_space<vmem>>)
      tpu.yield
    }) : () -> ()
    %dma_start3A = arith.constant 0 : i32
    %dma_start3A_3 = tpu.memref_slice %arg5[%dma_start3A] : memref<3328xi32, #tpu.memory_space<vmem>> -> memref<104xi32, #tpu.memory_space<vmem>>
    %dma_start3A_4 = arith.constant 0 : i32
    %dma_start3A_5 = arith.constant 0 : i32
    %dma_start3A_6 = tpu.memref_slice %arg2[%dma_start3A_4, %dma_start3A_5] : memref<100000x512xf32, #tpu.memory_space<hbm>> -> memref<100000x512xf32, #tpu.memory_space<hbm>>
    tpu.enqueue_indirect_dma source(%dma_start3A_6 : memref<100000x512xf32, #tpu.memory_space<hbm>>) target(%arg6 : memref<104x512xf32, #tpu.memory_space<vmem>>) offsets(%dma_start3A_3 : memref<104xi32, #tpu.memory_space<vmem>>) semaphore(%arg8 : memref<!tpu.dma_semaphore, #tpu.memory_space<semaphore_mem>>)
    %dma_start3A_7 = arith.constant 104 : i32
    %dma_start3A_8 = tpu.memref_slice %arg5[%dma_start3A_7] : memref<3328xi32, #tpu.memory_space<vmem>> -> memref<104xi32, #tpu.memory_space<vmem>>
    %dma_start3A_9 = arith.constant 0 : i32
    %dma_start3A_10 = arith.constant 0 : i32
    %dma_start3A_11 = tpu.memref_slice %arg2[%dma_start3A_9, %dma_start3A_10] : memref<100000x512xf32, #tpu.memory_space<hbm>> -> memref<100000x512xf32, #tpu.memory_space<hbm>>
    tpu.enqueue_indirect_dma source(%dma_start3A_11 : memref<100000x512xf32, #tpu.memory_space<hbm>>) target(%arg7 : memref<104x512xf32, #tpu.memory_space<vmem>>) offsets(%dma_start3A_8 : memref<104xi32, #tpu.memory_space<vmem>>) semaphore(%arg9 : memref<!tpu.dma_semaphore, #tpu.memory_space<semaphore_mem>>)
    %scan3A = arith.constant 0 : i32
    %scan3A_12 = arith.constant 0 : i32
    %scan3A_13 = arith.constant 16 : i32
    %scan3A_14 = arith.addi %scan3A_12, %scan3A_13 : i32
    %scan3A_15 = arith.constant 1 : i32
    scf.for %scan3A_17 = %scan3A_12 to %scan3A_14 step %scan3A_15  : i32 {
      %mul3A_18 = arith.constant 2 : i32
      %mul3A_19 = arith.muli %scan3A_17, %mul3A_18 : i32
      %add3A_20 = arith.constant 0 : i32
      %add3A_21 = arith.addi %mul3A_19, %add3A_20 : i32
      %mul3A_22 = arith.constant 104 : i32
      %mul3A_23 = arith.muli %add3A_21, %mul3A_22 : i32
      %dma_wait3A = tpu.memref_slice %arg5[%mul3A_23] : memref<3328xi32, #tpu.memory_space<vmem>> -> memref<104xi32, #tpu.memory_space<vmem>>
      %dma_wait3A_24 = arith.constant 0 : i32
      %dma_wait3A_25 = arith.constant 0 : i32
      %dma_wait3A_26 = tpu.memref_slice %arg2[%dma_wait3A_24, %dma_wait3A_25] : memref<100000x512xf32, #tpu.memory_space<hbm>> -> memref<100000x512xf32, #tpu.memory_space<hbm>>
      tpu.wait_indirect_dma semaphore(%arg8 : memref<!tpu.dma_semaphore, #tpu.memory_space<semaphore_mem>>) src(%dma_wait3A_26 : memref<100000x512xf32, #tpu.memory_space<hbm>>) dst(%arg6 : memref<104x512xf32, #tpu.memory_space<vmem>>)
      %mul3A_27 = arith.constant 104 : i32
      %mul3A_28 = arith.muli %add3A_21, %mul3A_27 : i32
      %add3A_29 = arith.addi %mul3A_2, %mul3A_28 : i32
      "tpu.region"() ({
        %run_scoped3A = tpu.sem_alloc : memref<!tpu.dma_semaphore, #tpu.memory_space<semaphore_mem>>
        %dma_start3A_52 = arith.constant 0 : i32
        %dma_start3A_53 = tpu.memref_slice %arg4[%add3A_29, %dma_start3A_52] : memref<106496x512xf32, #tpu.memory_space<hbm>> -> memref<104x512xf32, #tpu.memory_space<hbm>>
        %dma_start3A_54 = arith.constant 0 : i32
        %dma_start3A_55 = tpu.memref_slice %arg4[%add3A_29, %dma_start3A_54] : memref<106496x512xf32, #tpu.memory_space<hbm>> -> memref<104x512xf32, #tpu.memory_space<hbm>>
        tpu.enqueue_dma source(%arg6 : memref<104x512xf32, #tpu.memory_space<vmem>>) target(%dma_start3A_55 : memref<104x512xf32, #tpu.memory_space<hbm>>) target_semaphore(%run_scoped3A : memref<!tpu.dma_semaphore, #tpu.memory_space<semaphore_mem>>)
        %dma_wait3A_56 = arith.constant 0 : i32
        %dma_wait3A_57 = tpu.memref_slice %arg4[%add3A_29, %dma_wait3A_56] : memref<106496x512xf32, #tpu.memory_space<hbm>> -> memref<104x512xf32, #tpu.memory_space<hbm>>
        %dma_wait3A_58 = arith.constant 0 : i32
        %dma_wait3A_59 = tpu.memref_slice %arg4[%add3A_29, %dma_wait3A_58] : memref<106496x512xf32, #tpu.memory_space<hbm>> -> memref<104x512xf32, #tpu.memory_space<hbm>>
        tpu.wait_dma2 semaphore(%run_scoped3A : memref<!tpu.dma_semaphore, #tpu.memory_space<semaphore_mem>>) src(%arg6 : memref<104x512xf32, #tpu.memory_space<vmem>>) dst(%dma_wait3A_59 : memref<104x512xf32, #tpu.memory_space<hbm>>)
        tpu.yield
      }) : () -> ()
      %add3A_30 = arith.constant 2 : i32
      %add3A_31 = arith.addi %add3A_21, %add3A_30 : i32
      %lt3A = arith.constant 32 : i32
      %lt3A_32 = arith.cmpi slt, %add3A_31, %lt3A : i32
      %convert_element_type3A = arith.extui %lt3A_32 : i1 to i32
      %cond3A = arith.constant 0 : i32
      %cond3A_33 = arith.cmpi ne, %convert_element_type3A, %cond3A : i32
      scf.if %cond3A_33 {
        %add3A_52 = arith.constant 2 : i32
        %add3A_53 = arith.addi %add3A_21, %add3A_52 : i32
        %mul3A_54 = arith.constant 104 : i32
        %mul3A_55 = arith.muli %add3A_53, %mul3A_54 : i32
        %dma_start3A_56 = tpu.memref_slice %arg5[%mul3A_55] : memref<3328xi32, #tpu.memory_space<vmem>> -> memref<104xi32, #tpu.memory_space<vmem>>
        %dma_start3A_57 = arith.constant 0 : i32
        %dma_start3A_58 = arith.constant 0 : i32
        %dma_start3A_59 = tpu.memref_slice %arg2[%dma_start3A_57, %dma_start3A_58] : memref<100000x512xf32, #tpu.memory_space<hbm>> -> memref<100000x512xf32, #tpu.memory_space<hbm>>
        tpu.enqueue_indirect_dma source(%dma_start3A_59 : memref<100000x512xf32, #tpu.memory_space<hbm>>) target(%arg6 : memref<104x512xf32, #tpu.memory_space<vmem>>) offsets(%dma_start3A_56 : memref<104xi32, #tpu.memory_space<vmem>>) semaphore(%arg8 : memref<!tpu.dma_semaphore, #tpu.memory_space<semaphore_mem>>)
      } else {
      }
      %add3A_34 = arith.constant 1 : i32
      %add3A_35 = arith.addi %mul3A_19, %add3A_34 : i32
      %mul3A_36 = arith.constant 104 : i32
      %mul3A_37 = arith.muli %add3A_35, %mul3A_36 : i32
      %dma_wait3A_38 = tpu.memref_slice %arg5[%mul3A_37] : memref<3328xi32, #tpu.memory_space<vmem>> -> memref<104xi32, #tpu.memory_space<vmem>>
      %dma_wait3A_39 = arith.constant 0 : i32
      %dma_wait3A_40 = arith.constant 0 : i32
      %dma_wait3A_41 = tpu.memref_slice %arg2[%dma_wait3A_39, %dma_wait3A_40] : memref<100000x512xf32, #tpu.memory_space<hbm>> -> memref<100000x512xf32, #tpu.memory_space<hbm>>
      tpu.wait_indirect_dma semaphore(%arg9 : memref<!tpu.dma_semaphore, #tpu.memory_space<semaphore_mem>>) src(%dma_wait3A_41 : memref<100000x512xf32, #tpu.memory_space<hbm>>) dst(%arg7 : memref<104x512xf32, #tpu.memory_space<vmem>>)
      %mul3A_42 = arith.constant 104 : i32
      %mul3A_43 = arith.muli %add3A_35, %mul3A_42 : i32
      %add3A_44 = arith.addi %mul3A_2, %mul3A_43 : i32
      "tpu.region"() ({
        %run_scoped3A = tpu.sem_alloc : memref<!tpu.dma_semaphore, #tpu.memory_space<semaphore_mem>>
        %dma_start3A_52 = arith.constant 0 : i32
        %dma_start3A_53 = tpu.memref_slice %arg4[%add3A_44, %dma_start3A_52] : memref<106496x512xf32, #tpu.memory_space<hbm>> -> memref<104x512xf32, #tpu.memory_space<hbm>>
        %dma_start3A_54 = arith.constant 0 : i32
        %dma_start3A_55 = tpu.memref_slice %arg4[%add3A_44, %dma_start3A_54] : memref<106496x512xf32, #tpu.memory_space<hbm>> -> memref<104x512xf32, #tpu.memory_space<hbm>>
        tpu.enqueue_dma source(%arg7 : memref<104x512xf32, #tpu.memory_space<vmem>>) target(%dma_start3A_55 : memref<104x512xf32, #tpu.memory_space<hbm>>) target_semaphore(%run_scoped3A : memref<!tpu.dma_semaphore, #tpu.memory_space<semaphore_mem>>)
        %dma_wait3A_56 = arith.constant 0 : i32
        %dma_wait3A_57 = tpu.memref_slice %arg4[%add3A_44, %dma_wait3A_56] : memref<106496x512xf32, #tpu.memory_space<hbm>> -> memref<104x512xf32, #tpu.memory_space<hbm>>
        %dma_wait3A_58 = arith.constant 0 : i32
        %dma_wait3A_59 = tpu.memref_slice %arg4[%add3A_44, %dma_wait3A_58] : memref<106496x512xf32, #tpu.memory_space<hbm>> -> memref<104x512xf32, #tpu.memory_space<hbm>>
        tpu.wait_dma2 semaphore(%run_scoped3A : memref<!tpu.dma_semaphore, #tpu.memory_space<semaphore_mem>>) src(%arg7 : memref<104x512xf32, #tpu.memory_space<vmem>>) dst(%dma_wait3A_59 : memref<104x512xf32, #tpu.memory_space<hbm>>)
        tpu.yield
      }) : () -> ()
      %add3A_45 = arith.constant 2 : i32
      %add3A_46 = arith.addi %add3A_35, %add3A_45 : i32
      %lt3A_47 = arith.constant 32 : i32
      %lt3A_48 = arith.cmpi slt, %add3A_46, %lt3A_47 : i32
      %convert_element_type3A_49 = arith.extui %lt3A_48 : i1 to i32
      %cond3A_50 = arith.constant 0 : i32
      %cond3A_51 = arith.cmpi ne, %convert_element_type3A_49, %cond3A_50 : i32
      scf.if %cond3A_51 {
        %add3A_52 = arith.constant 2 : i32
        %add3A_53 = arith.addi %add3A_35, %add3A_52 : i32
        %mul3A_54 = arith.constant 104 : i32
        %mul3A_55 = arith.muli %add3A_53, %mul3A_54 : i32
        %dma_start3A_56 = tpu.memref_slice %arg5[%mul3A_55] : memref<3328xi32, #tpu.memory_space<vmem>> -> memref<104xi32, #tpu.memory_space<vmem>>
        %dma_start3A_57 = arith.constant 0 : i32
        %dma_start3A_58 = arith.constant 0 : i32
        %dma_start3A_59 = tpu.memref_slice %arg2[%dma_start3A_57, %dma_start3A_58] : memref<100000x512xf32, #tpu.memory_space<hbm>> -> memref<100000x512xf32, #tpu.memory_space<hbm>>
        tpu.enqueue_indirect_dma source(%dma_start3A_59 : memref<100000x512xf32, #tpu.memory_space<hbm>>) target(%arg7 : memref<104x512xf32, #tpu.memory_space<vmem>>) offsets(%dma_start3A_56 : memref<104xi32, #tpu.memory_space<vmem>>) semaphore(%arg9 : memref<!tpu.dma_semaphore, #tpu.memory_space<semaphore_mem>>)
      } else {
      }
    }
    %scan3A_16 = arith.constant 16 : i32
    return
  }
}

module attributes {stable_mosaic.version = 14 : i64} {
  func.func @_fused_body(%arg0: i32, %arg1: i32, %arg2: memref<3200x512xf32, #tpu.memory_space<vmem>>, %arg3: memref<1x512x128xbf16, #tpu.memory_space<vmem>>, %arg4: memref<1x1x128xf32, #tpu.memory_space<vmem>>, %arg5: memref<1024x512xf32, #tpu.memory_space<vmem>>, %arg6: memref<1024x512xf32, #tpu.memory_space<vmem>>, %arg7: memref<1024x512xf32, #tpu.memory_space<vmem>>, %arg8: memref<512x128xbf16, #tpu.memory_space<vmem>>, %arg9: memref<1x128xf32, #tpu.memory_space<vmem>>, %arg10: memref<512x128xbf16, #tpu.memory_space<vmem>>, %arg11: memref<1x128xf32, #tpu.memory_space<vmem>>, %arg12: memref<512x128xbf16, #tpu.memory_space<vmem>>, %arg13: memref<1x128xf32, #tpu.memory_space<vmem>>, %arg14: memref<1024x8xf32, #tpu.memory_space<vmem>>, %arg15: memref<1024x128xf32, #tpu.memory_space<vmem>>, %arg16: memref<1024x128xf32, #tpu.memory_space<vmem>>) attributes {dimension_semantics = [#tpu.dimension_semantics<arbitrary>, #tpu.dimension_semantics<arbitrary>], iteration_bounds = array<i64: 2, 16>, scalar_prefetch = 0 : i64, scratch_operands = 2 : i64, tpu.core_type = #tpu.core_type<tc>, window_params = [{transform_indices = @transform_0, window_bounds = array<i64: 3200, 512>}, {transform_indices = @transform_1, window_bounds = array<i64: 1, 512, 128>}, {transform_indices = @transform_2, window_bounds = array<i64: 1, 1, 128>}, {transform_indices = @transform_3, window_bounds = array<i64: 1024, 512>}, {transform_indices = @transform_4, window_bounds = array<i64: 1024, 512>}, {transform_indices = @transform_5, window_bounds = array<i64: 1024, 512>}, {pipeline_mode = #tpu.pipeline_mode<synchronous>, transform_indices = @transform_6, window_bounds = array<i64: 512, 128>}, {pipeline_mode = #tpu.pipeline_mode<synchronous>, transform_indices = @transform_7, window_bounds = array<i64: 1, 128>}, {pipeline_mode = #tpu.pipeline_mode<synchronous>, transform_indices = @transform_8, window_bounds = array<i64: 512, 128>}, {pipeline_mode = #tpu.pipeline_mode<synchronous>, transform_indices = @transform_9, window_bounds = array<i64: 1, 128>}, {pipeline_mode = #tpu.pipeline_mode<synchronous>, transform_indices = @transform_10, window_bounds = array<i64: 512, 128>}, {pipeline_mode = #tpu.pipeline_mode<synchronous>, transform_indices = @transform_11, window_bounds = array<i64: 1, 128>}, {pipeline_mode = #tpu.pipeline_mode<synchronous>, transform_indices = @transform_12, window_bounds = array<i64: 1024, 8>}]} {
    %get3A = arith.constant 0 : index
    %get3A_0 = arith.constant 0 : index
    %get3A_1 = vector.load %arg2[%get3A, %get3A_0] : memref<3200x512xf32, #tpu.memory_space<vmem>>, vector<3200x512xf32>
    %convert_element_type3A = arith.truncf %get3A_1 : vector<3200x512xf32> to vector<3200x512xbf16>
    %get3A_2 = arith.constant 0 : index
    %get3A_3 = arith.constant 0 : index
    %get3A_4 = arith.constant 0 : index
    %get3A_5 = vector.load %arg3[%get3A_2, %get3A_3, %get3A_4] : memref<1x512x128xbf16, #tpu.memory_space<vmem>>, vector<1x512x128xbf16>
    %get3A_6 = vector.shape_cast %get3A_5 : vector<1x512x128xbf16> to vector<512x128xbf16>
    %dot_general3A = arith.constant dense<0.000000e+00> : vector<3200x128xf32>
    %dot_general3A_7 = tpu.matmul %convert_element_type3A, %get3A_6, %dot_general3A {dimension_numbers = #tpu.dot_dimension_numbers<[1], [0], [0], [1], [0, 0, 1, 1], [], []>, transpose_lhs_hint = false} : vector<3200x512xbf16>, vector<512x128xbf16>, vector<3200x128xf32> -> vector<3200x128xf32>
    %get3A_8 = arith.constant 0 : index
    %get3A_9 = arith.constant 0 : index
    %get3A_10 = arith.constant 0 : index
    %get3A_11 = vector.load %arg4[%get3A_8, %get3A_9, %get3A_10] : memref<1x1x128xf32, #tpu.memory_space<vmem>>, vector<1x1x128xf32>
    %get3A_12 = vector.shape_cast %get3A_11 : vector<1x1x128xf32> to vector<1x128xf32>
    %add3A = vector.broadcast %get3A_12 : vector<1x128xf32> to vector<3200x128xf32>
    %add3A_13 = arith.addf %dot_general3A_7, %add3A : vector<3200x128xf32>
    %logistic3A = arith.negf %add3A_13 : vector<3200x128xf32>
    %logistic3A_14 = math.exp %logistic3A : vector<3200x128xf32>
    %logistic3A_15 = arith.constant 1.000000e+00 : f32
    %logistic3A_16 = vector.broadcast %logistic3A_15 : f32 to vector<3200x128xf32>
    %logistic3A_17 = arith.addf %logistic3A_16, %logistic3A_14 : vector<3200x128xf32>
    %logistic3A_18 = arith.divf %logistic3A_16, %logistic3A_17 : vector<3200x128xf32>
    %reshape3A = vector.shape_cast %logistic3A_18 : vector<3200x128xf32> to vector<64x50x128xf32>
    %reduce_sum3A = arith.constant dense<0.000000e+00> : vector<64x128xf32>
    %reduce_sum3A_19 = vector.multi_reduction <add>, %reshape3A, %reduce_sum3A [1] : vector<64x50x128xf32> to vector<64x128xf32>
    %div3A = arith.constant 5.000000e+01 : f32
    %div3A_20 = vector.broadcast %div3A : f32 to vector<64x128xf32>
    %div3A_21 = arith.divf %reduce_sum3A_19, %div3A_20 : vector<64x128xf32>
    %eq3A = arith.constant 0 : i32
    %eq3A_22 = arith.cmpi eq, %arg0, %eq3A : i32
    %convert_element_type3A_23 = arith.extui %eq3A_22 : i1 to i32
    %cond3A = arith.constant 0 : i32
    %cond3A_24 = arith.cmpi ne, %convert_element_type3A_23, %cond3A : i32
    scf.if %cond3A_24 {
      %mul3A = arith.constant 64 : i32
      %mul3A_37 = arith.muli %arg1, %mul3A : i32
      %swap3A = arith.index_cast %mul3A_37 : i32 to index
      %swap3A_38 = arith.constant 0 : index
      %swap3A_39 = vector.load %arg15[%swap3A, %swap3A_38] : memref<1024x128xf32, #tpu.memory_space<vmem>>, vector<64x128xf32>
      tpu.vector_store %arg15[%swap3A, %swap3A_38], %div3A_21 {strides = array<i32>} : memref<1024x128xf32, #tpu.memory_space<vmem>>, vector<64x128xf32>,
    } else {
    }
    %eq3A_25 = arith.constant 1 : i32
    %eq3A_26 = arith.cmpi eq, %arg0, %eq3A_25 : i32
    %convert_element_type3A_27 = arith.extui %eq3A_26 : i1 to i32
    %cond3A_28 = arith.constant 0 : i32
    %cond3A_29 = arith.cmpi ne, %convert_element_type3A_27, %cond3A_28 : i32
    scf.if %cond3A_29 {
      %mul3A = arith.constant 64 : i32
      %mul3A_37 = arith.muli %arg1, %mul3A : i32
      %swap3A = arith.index_cast %mul3A_37 : i32 to index
      %swap3A_38 = arith.constant 0 : index
      %swap3A_39 = vector.load %arg16[%swap3A, %swap3A_38] : memref<1024x128xf32, #tpu.memory_space<vmem>>, vector<64x128xf32>
      tpu.vector_store %arg16[%swap3A, %swap3A_38], %div3A_21 {strides = array<i32>} : memref<1024x128xf32, #tpu.memory_space<vmem>>, vector<64x128xf32>,
    } else {
    }
    %eq3A_30 = arith.constant 1 : i32
    %eq3A_31 = arith.cmpi eq, %arg0, %eq3A_30 : i32
    %eq3A_32 = arith.constant 15 : i32
    %eq3A_33 = arith.cmpi eq, %arg1, %eq3A_32 : i32
    %and3A = arith.andi %eq3A_31, %eq3A_33 : i1
    %convert_element_type3A_34 = arith.extui %and3A : i1 to i32
    %cond3A_35 = arith.constant 0 : i32
    %cond3A_36 = arith.cmpi ne, %convert_element_type3A_34, %cond3A_35 : i32
    scf.if %cond3A_36 {
      %get3A_37 = arith.constant 0 : index
      %get3A_38 = arith.constant 0 : index
      %get3A_39 = vector.load %arg5[%get3A_37, %get3A_38] : memref<1024x512xf32, #tpu.memory_space<vmem>>, vector<1024x512xf32>
      %convert_element_type3A_40 = arith.truncf %get3A_39 : vector<1024x512xf32> to vector<1024x512xbf16>
      %get3A_41 = arith.constant 0 : index
      %get3A_42 = arith.constant 0 : index
      %get3A_43 = vector.load %arg6[%get3A_41, %get3A_42] : memref<1024x512xf32, #tpu.memory_space<vmem>>, vector<1024x512xf32>
      %convert_element_type3A_44 = arith.truncf %get3A_43 : vector<1024x512xf32> to vector<1024x512xbf16>
      %get3A_45 = arith.constant 0 : index
      %get3A_46 = arith.constant 0 : index
      %get3A_47 = vector.load %arg7[%get3A_45, %get3A_46] : memref<1024x512xf32, #tpu.memory_space<vmem>>, vector<1024x512xf32>
      %convert_element_type3A_48 = arith.truncf %get3A_47 : vector<1024x512xf32> to vector<1024x512xbf16>
      %get3A_49 = arith.constant 0 : index
      %get3A_50 = arith.constant 0 : index
      %get3A_51 = vector.load %arg8[%get3A_49, %get3A_50] : memref<512x128xbf16, #tpu.memory_space<vmem>>, vector<512x128xbf16>
      %dot_general3A_52 = arith.constant dense<0.000000e+00> : vector<1024x128xf32>
      %dot_general3A_53 = tpu.matmul %convert_element_type3A_40, %get3A_51, %dot_general3A_52 {dimension_numbers = #tpu.dot_dimension_numbers<[1], [0], [0], [1], [0, 0, 1, 1], [], []>, transpose_lhs_hint = false} : vector<1024x512xbf16>, vector<512x128xbf16>, vector<1024x128xf32> -> vector<1024x128xf32>
      %get3A_54 = arith.constant 0 : index
      %get3A_55 = arith.constant 0 : index
      %get3A_56 = vector.load %arg9[%get3A_54, %get3A_55] : memref<1x128xf32, #tpu.memory_space<vmem>>, vector<1x128xf32>
      %add3A_57 = vector.broadcast %get3A_56 : vector<1x128xf32> to vector<1024x128xf32>
      %add3A_58 = arith.addf %dot_general3A_53, %add3A_57 : vector<1024x128xf32>
      %logistic3A_59 = arith.negf %add3A_58 : vector<1024x128xf32>
      %logistic3A_60 = math.exp %logistic3A_59 : vector<1024x128xf32>
      %logistic3A_61 = arith.constant 1.000000e+00 : f32
      %logistic3A_62 = vector.broadcast %logistic3A_61 : f32 to vector<1024x128xf32>
      %logistic3A_63 = arith.addf %logistic3A_62, %logistic3A_60 : vector<1024x128xf32>
      %logistic3A_64 = arith.divf %logistic3A_62, %logistic3A_63 : vector<1024x128xf32>
      %mul3A = arith.mulf %logistic3A_64, %logistic3A_64 : vector<1024x128xf32>
      %reduce_sum3A_65 = arith.constant dense<0.000000e+00> : vector<128xf32>
      %reduce_sum3A_66 = vector.multi_reduction <add>, %mul3A, %reduce_sum3A_65 [0] : vector<1024x128xf32> to vector<128xf32>
      %broadcast_in_dim3A = vector.shape_cast %reduce_sum3A_66 : vector<128xf32> to vector<1x128xf32>
      %sqrt3A = math.sqrt %broadcast_in_dim3A : vector<1x128xf32>
      %max3A = arith.constant 9.99999996E-13 : f32
      %max3A_67 = vector.broadcast %max3A : f32 to vector<1x128xf32>
      %max3A_68 = arith.maximumf %sqrt3A, %max3A_67 : vector<1x128xf32>
      %div3A_69 = vector.broadcast %max3A_68 : vector<1x128xf32> to vector<1024x128xf32>
      %div3A_70 = arith.divf %logistic3A_64, %div3A_69 : vector<1024x128xf32>
      %get3A_71 = arith.constant 0 : index
      %get3A_72 = arith.constant 0 : index
      %get3A_73 = vector.load %arg8[%get3A_71, %get3A_72] : memref<512x128xbf16, #tpu.memory_space<vmem>>, vector<512x128xbf16>
      %dot_general3A_74 = arith.constant dense<0.000000e+00> : vector<1024x128xf32>
      %dot_general3A_75 = tpu.matmul %convert_element_type3A_44, %get3A_73, %dot_general3A_74 {dimension_numbers = #tpu.dot_dimension_numbers<[1], [0], [0], [1], [0, 0, 1, 1], [], []>, transpose_lhs_hint = false} : vector<1024x512xbf16>, vector<512x128xbf16>, vector<1024x128xf32> -> vector<1024x128xf32>
      %get3A_76 = arith.constant 0 : index
      %get3A_77 = arith.constant 0 : index
      %get3A_78 = vector.load %arg9[%get3A_76, %get3A_77] : memref<1x128xf32, #tpu.memory_space<vmem>>, vector<1x128xf32>
      %add3A_79 = vector.broadcast %get3A_78 : vector<1x128xf32> to vector<1024x128xf32>
      %add3A_80 = arith.addf %dot_general3A_75, %add3A_79 : vector<1024x128xf32>
      %logistic3A_81 = arith.negf %add3A_80 : vector<1024x128xf32>
      %logistic3A_82 = math.exp %logistic3A_81 : vector<1024x128xf32>
      %logistic3A_83 = arith.constant 1.000000e+00 : f32
      %logistic3A_84 = vector.broadcast %logistic3A_83 : f32 to vector<1024x128xf32>
      %logistic3A_85 = arith.addf %logistic3A_84, %logistic3A_82 : vector<1024x128xf32>
      %logistic3A_86 = arith.divf %logistic3A_84, %logistic3A_85 : vector<1024x128xf32>
      %mul3A_87 = arith.mulf %logistic3A_86, %logistic3A_86 : vector<1024x128xf32>
      %reduce_sum3A_88 = arith.constant dense<0.000000e+00> : vector<128xf32>
      %reduce_sum3A_89 = vector.multi_reduction <add>, %mul3A_87, %reduce_sum3A_88 [0] : vector<1024x128xf32> to vector<128xf32>
      %broadcast_in_dim3A_90 = vector.shape_cast %reduce_sum3A_89 : vector<128xf32> to vector<1x128xf32>
      %sqrt3A_91 = math.sqrt %broadcast_in_dim3A_90 : vector<1x128xf32>
      %max3A_92 = arith.constant 9.99999996E-13 : f32
      %max3A_93 = vector.broadcast %max3A_92 : f32 to vector<1x128xf32>
      %max3A_94 = arith.maximumf %sqrt3A_91, %max3A_93 : vector<1x128xf32>
      %div3A_95 = vector.broadcast %max3A_94 : vector<1x128xf32> to vector<1024x128xf32>
      %div3A_96 = arith.divf %logistic3A_86, %div3A_95 : vector<1024x128xf32>
      %get3A_97 = arith.constant 0 : index
      %get3A_98 = arith.constant 0 : index
      %get3A_99 = vector.load %arg8[%get3A_97, %get3A_98] : memref<512x128xbf16, #tpu.memory_space<vmem>>, vector<512x128xbf16>
      %dot_general3A_100 = arith.constant dense<0.000000e+00> : vector<1024x128xf32>
      %dot_general3A_101 = tpu.matmul %convert_element_type3A_48, %get3A_99, %dot_general3A_100 {dimension_numbers = #tpu.dot_dimension_numbers<[1], [0], [0], [1], [0, 0, 1, 1], [], []>, transpose_lhs_hint = false} : vector<1024x512xbf16>, vector<512x128xbf16>, vector<1024x128xf32> -> vector<1024x128xf32>
      %get3A_102 = arith.constant 0 : index
      %get3A_103 = arith.constant 0 : index
      %get3A_104 = vector.load %arg9[%get3A_102, %get3A_103] : memref<1x128xf32, #tpu.memory_space<vmem>>, vector<1x128xf32>
      %add3A_105 = vector.broadcast %get3A_104 : vector<1x128xf32> to vector<1024x128xf32>
      %add3A_106 = arith.addf %dot_general3A_101, %add3A_105 : vector<1024x128xf32>
      %logistic3A_107 = arith.negf %add3A_106 : vector<1024x128xf32>
      %logistic3A_108 = math.exp %logistic3A_107 : vector<1024x128xf32>
      %logistic3A_109 = arith.constant 1.000000e+00 : f32
      %logistic3A_110 = vector.broadcast %logistic3A_109 : f32 to vector<1024x128xf32>
      %logistic3A_111 = arith.addf %logistic3A_110, %logistic3A_108 : vector<1024x128xf32>
      %logistic3A_112 = arith.divf %logistic3A_110, %logistic3A_111 : vector<1024x128xf32>
      %mul3A_113 = arith.mulf %logistic3A_112, %logistic3A_112 : vector<1024x128xf32>
      %reduce_sum3A_114 = arith.constant dense<0.000000e+00> : vector<128xf32>
      %reduce_sum3A_115 = vector.multi_reduction <add>, %mul3A_113, %reduce_sum3A_114 [0] : vector<1024x128xf32> to vector<128xf32>
      %broadcast_in_dim3A_116 = vector.shape_cast %reduce_sum3A_115 : vector<128xf32> to vector<1x128xf32>
      %sqrt3A_117 = math.sqrt %broadcast_in_dim3A_116 : vector<1x128xf32>
      %max3A_118 = arith.constant 9.99999996E-13 : f32
      %max3A_119 = vector.broadcast %max3A_118 : f32 to vector<1x128xf32>
      %max3A_120 = arith.maximumf %sqrt3A_117, %max3A_119 : vector<1x128xf32>
      %div3A_121 = vector.broadcast %max3A_120 : vector<1x128xf32> to vector<1024x128xf32>
      %div3A_122 = arith.divf %logistic3A_112, %div3A_121 : vector<1024x128xf32>
      %get3A_123 = arith.constant 0 : index
      %get3A_124 = arith.constant 0 : index
      %get3A_125 = vector.load %arg10[%get3A_123, %get3A_124] : memref<512x128xbf16, #tpu.memory_space<vmem>>, vector<512x128xbf16>
      %dot_general3A_126 = arith.constant dense<0.000000e+00> : vector<1024x128xf32>
      %dot_general3A_127 = tpu.matmul %convert_element_type3A_44, %get3A_125, %dot_general3A_126 {dimension_numbers = #tpu.dot_dimension_numbers<[1], [0], [0], [1], [0, 0, 1, 1], [], []>, transpose_lhs_hint = false} : vector<1024x512xbf16>, vector<512x128xbf16>, vector<1024x128xf32> -> vector<1024x128xf32>
      %get3A_128 = arith.constant 0 : index
      %get3A_129 = arith.constant 0 : index
      %get3A_130 = vector.load %arg11[%get3A_128, %get3A_129] : memref<1x128xf32, #tpu.memory_space<vmem>>, vector<1x128xf32>
      %add3A_131 = vector.broadcast %get3A_130 : vector<1x128xf32> to vector<1024x128xf32>
      %add3A_132 = arith.addf %dot_general3A_127, %add3A_131 : vector<1024x128xf32>
      %logistic3A_133 = arith.negf %add3A_132 : vector<1024x128xf32>
      %logistic3A_134 = math.exp %logistic3A_133 : vector<1024x128xf32>
      %logistic3A_135 = arith.constant 1.000000e+00 : f32
      %logistic3A_136 = vector.broadcast %logistic3A_135 : f32 to vector<1024x128xf32>
      %logistic3A_137 = arith.addf %logistic3A_136, %logistic3A_134 : vector<1024x128xf32>
      %logistic3A_138 = arith.divf %logistic3A_136, %logistic3A_137 : vector<1024x128xf32>
      %mul3A_139 = arith.mulf %logistic3A_138, %logistic3A_138 : vector<1024x128xf32>
      %reduce_sum3A_140 = arith.constant dense<0.000000e+00> : vector<128xf32>
      %reduce_sum3A_141 = vector.multi_reduction <add>, %mul3A_139, %reduce_sum3A_140 [0] : vector<1024x128xf32> to vector<128xf32>
      %broadcast_in_dim3A_142 = vector.shape_cast %reduce_sum3A_141 : vector<128xf32> to vector<1x128xf32>
      %sqrt3A_143 = math.sqrt %broadcast_in_dim3A_142 : vector<1x128xf32>
      %max3A_144 = arith.constant 9.99999996E-13 : f32
      %max3A_145 = vector.broadcast %max3A_144 : f32 to vector<1x128xf32>
      %max3A_146 = arith.maximumf %sqrt3A_143, %max3A_145 : vector<1x128xf32>
      %div3A_147 = vector.broadcast %max3A_146 : vector<1x128xf32> to vector<1024x128xf32>
      %div3A_148 = arith.divf %logistic3A_138, %div3A_147 : vector<1024x128xf32>
      %get3A_149 = arith.constant 0 : index
      %get3A_150 = arith.constant 0 : index
      %get3A_151 = vector.load %arg10[%get3A_149, %get3A_150] : memref<512x128xbf16, #tpu.memory_space<vmem>>, vector<512x128xbf16>
      %dot_general3A_152 = arith.constant dense<0.000000e+00> : vector<1024x128xf32>
      %dot_general3A_153 = tpu.matmul %convert_element_type3A_48, %get3A_151, %dot_general3A_152 {dimension_numbers = #tpu.dot_dimension_numbers<[1], [0], [0], [1], [0, 0, 1, 1], [], []>, transpose_lhs_hint = false} : vector<1024x512xbf16>, vector<512x128xbf16>, vector<1024x128xf32> -> vector<1024x128xf32>
      %get3A_154 = arith.constant 0 : index
      %get3A_155 = arith.constant 0 : index
      %get3A_156 = vector.load %arg11[%get3A_154, %get3A_155] : memref<1x128xf32, #tpu.memory_space<vmem>>, vector<1x128xf32>
      %add3A_157 = vector.broadcast %get3A_156 : vector<1x128xf32> to vector<1024x128xf32>
      %add3A_158 = arith.addf %dot_general3A_153, %add3A_157 : vector<1024x128xf32>
      %logistic3A_159 = arith.negf %add3A_158 : vector<1024x128xf32>
      %logistic3A_160 = math.exp %logistic3A_159 : vector<1024x128xf32>
      %logistic3A_161 = arith.constant 1.000000e+00 : f32
      %logistic3A_162 = vector.broadcast %logistic3A_161 : f32 to vector<1024x128xf32>
      %logistic3A_163 = arith.addf %logistic3A_162, %logistic3A_160 : vector<1024x128xf32>
      %logistic3A_164 = arith.divf %logistic3A_162, %logistic3A_163 : vector<1024x128xf32>
      %mul3A_165 = arith.mulf %logistic3A_164, %logistic3A_164 : vector<1024x128xf32>
      %reduce_sum3A_166 = arith.constant dense<0.000000e+00> : vector<128xf32>
      %reduce_sum3A_167 = vector.multi_reduction <add>, %mul3A_165, %reduce_sum3A_166 [0] : vector<1024x128xf32> to vector<128xf32>
      %broadcast_in_dim3A_168 = vector.shape_cast %reduce_sum3A_167 : vector<128xf32> to vector<1x128xf32>
      %sqrt3A_169 = math.sqrt %broadcast_in_dim3A_168 : vector<1x128xf32>
      %max3A_170 = arith.constant 9.99999996E-13 : f32
      %max3A_171 = vector.broadcast %max3A_170 : f32 to vector<1x128xf32>
      %max3A_172 = arith.maximumf %sqrt3A_169, %max3A_171 : vector<1x128xf32>
      %div3A_173 = vector.broadcast %max3A_172 : vector<1x128xf32> to vector<1024x128xf32>
      %div3A_174 = arith.divf %logistic3A_164, %div3A_173 : vector<1024x128xf32>
      %get3A_175 = arith.constant 0 : index
      %get3A_176 = arith.constant 0 : index
      %get3A_177 = vector.load %arg12[%get3A_175, %get3A_176] : memref<512x128xbf16, #tpu.memory_space<vmem>>, vector<512x128xbf16>
      %dot_general3A_178 = arith.constant dense<0.000000e+00> : vector<1024x128xf32>
      %dot_general3A_179 = tpu.matmul %convert_element_type3A_44, %get3A_177, %dot_general3A_178 {dimension_numbers = #tpu.dot_dimension_numbers<[1], [0], [0], [1], [0, 0, 1, 1], [], []>, transpose_lhs_hint = false} : vector<1024x512xbf16>, vector<512x128xbf16>, vector<1024x128xf32> -> vector<1024x128xf32>
      %get3A_180 = arith.constant 0 : index
      %get3A_181 = arith.constant 0 : index
      %get3A_182 = vector.load %arg13[%get3A_180, %get3A_181] : memref<1x128xf32, #tpu.memory_space<vmem>>, vector<1x128xf32>
      %add3A_183 = vector.broadcast %get3A_182 : vector<1x128xf32> to vector<1024x128xf32>
      %add3A_184 = arith.addf %dot_general3A_179, %add3A_183 : vector<1024x128xf32>
      %logistic3A_185 = arith.negf %add3A_184 : vector<1024x128xf32>
      %logistic3A_186 = math.exp %logistic3A_185 : vector<1024x128xf32>
      %logistic3A_187 = arith.constant 1.000000e+00 : f32
      %logistic3A_188 = vector.broadcast %logistic3A_187 : f32 to vector<1024x128xf32>
      %logistic3A_189 = arith.addf %logistic3A_188, %logistic3A_186 : vector<1024x128xf32>
      %logistic3A_190 = arith.divf %logistic3A_188, %logistic3A_189 : vector<1024x128xf32>
      %mul3A_191 = arith.mulf %logistic3A_190, %logistic3A_190 : vector<1024x128xf32>
      %reduce_sum3A_192 = arith.constant dense<0.000000e+00> : vector<128xf32>
      %reduce_sum3A_193 = vector.multi_reduction <add>, %mul3A_191, %reduce_sum3A_192 [0] : vector<1024x128xf32> to vector<128xf32>
      %broadcast_in_dim3A_194 = vector.shape_cast %reduce_sum3A_193 : vector<128xf32> to vector<1x128xf32>
      %sqrt3A_195 = math.sqrt %broadcast_in_dim3A_194 : vector<1x128xf32>
      %max3A_196 = arith.constant 9.99999996E-13 : f32
      %max3A_197 = vector.broadcast %max3A_196 : f32 to vector<1x128xf32>
      %max3A_198 = arith.maximumf %sqrt3A_195, %max3A_197 : vector<1x128xf32>
      %div3A_199 = vector.broadcast %max3A_198 : vector<1x128xf32> to vector<1024x128xf32>
      %div3A_200 = arith.divf %logistic3A_190, %div3A_199 : vector<1024x128xf32>
      %get3A_201 = arith.constant 0 : index
      %get3A_202 = arith.constant 0 : index
      %get3A_203 = vector.load %arg12[%get3A_201, %get3A_202] : memref<512x128xbf16, #tpu.memory_space<vmem>>, vector<512x128xbf16>
      %dot_general3A_204 = arith.constant dense<0.000000e+00> : vector<1024x128xf32>
      %dot_general3A_205 = tpu.matmul %convert_element_type3A_48, %get3A_203, %dot_general3A_204 {dimension_numbers = #tpu.dot_dimension_numbers<[1], [0], [0], [1], [0, 0, 1, 1], [], []>, transpose_lhs_hint = false} : vector<1024x512xbf16>, vector<512x128xbf16>, vector<1024x128xf32> -> vector<1024x128xf32>
      %get3A_206 = arith.constant 0 : index
      %get3A_207 = arith.constant 0 : index
      %get3A_208 = vector.load %arg13[%get3A_206, %get3A_207] : memref<1x128xf32, #tpu.memory_space<vmem>>, vector<1x128xf32>
      %add3A_209 = vector.broadcast %get3A_208 : vector<1x128xf32> to vector<1024x128xf32>
      %add3A_210 = arith.addf %dot_general3A_205, %add3A_209 : vector<1024x128xf32>
      %logistic3A_211 = arith.negf %add3A_210 : vector<1024x128xf32>
      %logistic3A_212 = math.exp %logistic3A_211 : vector<1024x128xf32>
      %logistic3A_213 = arith.constant 1.000000e+00 : f32
      %logistic3A_214 = vector.broadcast %logistic3A_213 : f32 to vector<1024x128xf32>
      %logistic3A_215 = arith.addf %logistic3A_214, %logistic3A_212 : vector<1024x128xf32>
      %logistic3A_216 = arith.divf %logistic3A_214, %logistic3A_215 : vector<1024x128xf32>
      %mul3A_217 = arith.mulf %logistic3A_216, %logistic3A_216 : vector<1024x128xf32>
      %reduce_sum3A_218 = arith.constant dense<0.000000e+00> : vector<128xf32>
      %reduce_sum3A_219 = vector.multi_reduction <add>, %mul3A_217, %reduce_sum3A_218 [0] : vector<1024x128xf32> to vector<128xf32>
      %broadcast_in_dim3A_220 = vector.shape_cast %reduce_sum3A_219 : vector<128xf32> to vector<1x128xf32>
      %sqrt3A_221 = math.sqrt %broadcast_in_dim3A_220 : vector<1x128xf32>
      %max3A_222 = arith.constant 9.99999996E-13 : f32
      %max3A_223 = vector.broadcast %max3A_222 : f32 to vector<1x128xf32>
      %max3A_224 = arith.maximumf %sqrt3A_221, %max3A_223 : vector<1x128xf32>
      %div3A_225 = vector.broadcast %max3A_224 : vector<1x128xf32> to vector<1024x128xf32>
      %div3A_226 = arith.divf %logistic3A_216, %div3A_225 : vector<1024x128xf32>
      %get3A_227 = arith.constant 0 : index
      %get3A_228 = arith.constant 0 : index
      %get3A_229 = vector.load %arg15[%get3A_227, %get3A_228] : memref<1024x128xf32, #tpu.memory_space<vmem>>, vector<1024x128xf32>
      %mul3A_230 = arith.mulf %get3A_229, %get3A_229 : vector<1024x128xf32>
      %reduce_sum3A_231 = arith.constant dense<0.000000e+00> : vector<128xf32>
      %reduce_sum3A_232 = vector.multi_reduction <add>, %mul3A_230, %reduce_sum3A_231 [0] : vector<1024x128xf32> to vector<128xf32>
      %broadcast_in_dim3A_233 = vector.shape_cast %reduce_sum3A_232 : vector<128xf32> to vector<1x128xf32>
      %sqrt3A_234 = math.sqrt %broadcast_in_dim3A_233 : vector<1x128xf32>
      %max3A_235 = arith.constant 9.99999996E-13 : f32
      %max3A_236 = vector.broadcast %max3A_235 : f32 to vector<1x128xf32>
      %max3A_237 = arith.maximumf %sqrt3A_234, %max3A_236 : vector<1x128xf32>
      %div3A_238 = vector.broadcast %max3A_237 : vector<1x128xf32> to vector<1024x128xf32>
      %div3A_239 = arith.divf %get3A_229, %div3A_238 : vector<1024x128xf32>
      %get3A_240 = arith.constant 0 : index
      %get3A_241 = arith.constant 0 : index
      %get3A_242 = vector.load %arg16[%get3A_240, %get3A_241] : memref<1024x128xf32, #tpu.memory_space<vmem>>, vector<1024x128xf32>
      %mul3A_243 = arith.mulf %get3A_242, %get3A_242 : vector<1024x128xf32>
      %reduce_sum3A_244 = arith.constant dense<0.000000e+00> : vector<128xf32>
      %reduce_sum3A_245 = vector.multi_reduction <add>, %mul3A_243, %reduce_sum3A_244 [0] : vector<1024x128xf32> to vector<128xf32>
      %broadcast_in_dim3A_246 = vector.shape_cast %reduce_sum3A_245 : vector<128xf32> to vector<1x128xf32>
      %sqrt3A_247 = math.sqrt %broadcast_in_dim3A_246 : vector<1x128xf32>
      %max3A_248 = arith.constant 9.99999996E-13 : f32
      %max3A_249 = vector.broadcast %max3A_248 : f32 to vector<1x128xf32>
      %max3A_250 = arith.maximumf %sqrt3A_247, %max3A_249 : vector<1x128xf32>
      %div3A_251 = vector.broadcast %max3A_250 : vector<1x128xf32> to vector<1024x128xf32>
      %div3A_252 = arith.divf %get3A_242, %div3A_251 : vector<1024x128xf32>
      %mul3A_253 = arith.mulf %div3A_70, %div3A_96 : vector<1024x128xf32>
      %reduce_sum3A_254 = arith.constant dense<0.000000e+00> : vector<1024xf32>
      %reduce_sum3A_255 = vector.multi_reduction <add>, %mul3A_253, %reduce_sum3A_254 [1] : vector<1024x128xf32> to vector<1024xf32>
      %broadcast_in_dim3A_256 = vector.shape_cast %reduce_sum3A_255 : vector<1024xf32> to vector<1024x1xf32>
      %mul3A_257 = arith.mulf %div3A_70, %div3A_70 : vector<1024x128xf32>
      %reduce_sum3A_258 = arith.constant dense<0.000000e+00> : vector<1024xf32>
      %reduce_sum3A_259 = vector.multi_reduction <add>, %mul3A_257, %reduce_sum3A_258 [1] : vector<1024x128xf32> to vector<1024xf32>
      %broadcast_in_dim3A_260 = vector.shape_cast %reduce_sum3A_259 : vector<1024xf32> to vector<1024x1xf32>
      %sqrt3A_261 = math.sqrt %broadcast_in_dim3A_260 : vector<1024x1xf32>
      %mul3A_262 = arith.mulf %div3A_96, %div3A_96 : vector<1024x128xf32>
      %reduce_sum3A_263 = arith.constant dense<0.000000e+00> : vector<1024xf32>
      %reduce_sum3A_264 = vector.multi_reduction <add>, %mul3A_262, %reduce_sum3A_263 [1] : vector<1024x128xf32> to vector<1024xf32>
      %broadcast_in_dim3A_265 = vector.shape_cast %reduce_sum3A_264 : vector<1024xf32> to vector<1024x1xf32>
      %sqrt3A_266 = math.sqrt %broadcast_in_dim3A_265 : vector<1024x1xf32>
      %mul3A_267 = arith.mulf %sqrt3A_261, %sqrt3A_266 : vector<1024x1xf32>
      %max3A_268 = arith.constant 9.99999993E-9 : f32
      %max3A_269 = vector.broadcast %max3A_268 : f32 to vector<1024x1xf32>
      %max3A_270 = arith.maximumf %mul3A_267, %max3A_269 : vector<1024x1xf32>
      %div3A_271 = arith.divf %broadcast_in_dim3A_256, %max3A_270 : vector<1024x1xf32>
      %swap3A = arith.constant 0 : index
      %swap3A_272 = arith.constant 0 : index
      %swap3A_273 = vector.load %arg14[%swap3A, %swap3A_272] : memref<1024x8xf32, #tpu.memory_space<vmem>>, vector<1024x1xf32>
      tpu.vector_store %arg14[%swap3A, %swap3A_272], %div3A_271 {strides = array<i32>} : memref<1024x8xf32, #tpu.memory_space<vmem>>, vector<1024x1xf32>,
      %mul3A_274 = arith.mulf %div3A_70, %div3A_122 : vector<1024x128xf32>
      %reduce_sum3A_275 = arith.constant dense<0.000000e+00> : vector<1024xf32>
      %reduce_sum3A_276 = vector.multi_reduction <add>, %mul3A_274, %reduce_sum3A_275 [1] : vector<1024x128xf32> to vector<1024xf32>
      %broadcast_in_dim3A_277 = vector.shape_cast %reduce_sum3A_276 : vector<1024xf32> to vector<1024x1xf32>
      %mul3A_278 = arith.mulf %div3A_70, %div3A_70 : vector<1024x128xf32>
      %reduce_sum3A_279 = arith.constant dense<0.000000e+00> : vector<1024xf32>
      %reduce_sum3A_280 = vector.multi_reduction <add>, %mul3A_278, %reduce_sum3A_279 [1] : vector<1024x128xf32> to vector<1024xf32>
      %broadcast_in_dim3A_281 = vector.shape_cast %reduce_sum3A_280 : vector<1024xf32> to vector<1024x1xf32>
      %sqrt3A_282 = math.sqrt %broadcast_in_dim3A_281 : vector<1024x1xf32>
      %mul3A_283 = arith.mulf %div3A_122, %div3A_122 : vector<1024x128xf32>
      %reduce_sum3A_284 = arith.constant dense<0.000000e+00> : vector<1024xf32>
      %reduce_sum3A_285 = vector.multi_reduction <add>, %mul3A_283, %reduce_sum3A_284 [1] : vector<1024x128xf32> to vector<1024xf32>
      %broadcast_in_dim3A_286 = vector.shape_cast %reduce_sum3A_285 : vector<1024xf32> to vector<1024x1xf32>
      %sqrt3A_287 = math.sqrt %broadcast_in_dim3A_286 : vector<1024x1xf32>
      %mul3A_288 = arith.mulf %sqrt3A_282, %sqrt3A_287 : vector<1024x1xf32>
      %max3A_289 = arith.constant 9.99999993E-9 : f32
      %max3A_290 = vector.broadcast %max3A_289 : f32 to vector<1024x1xf32>
      %max3A_291 = arith.maximumf %mul3A_288, %max3A_290 : vector<1024x1xf32>
      %div3A_292 = arith.divf %broadcast_in_dim3A_277, %max3A_291 : vector<1024x1xf32>
      %swap3A_293 = arith.constant 0 : index
      %swap3A_294 = arith.constant 1 : index
      %swap3A_295 = vector.load %arg14[%swap3A_293, %swap3A_294] : memref<1024x8xf32, #tpu.memory_space<vmem>>, vector<1024x1xf32>
      tpu.vector_store %arg14[%swap3A_293, %swap3A_294], %div3A_292 {strides = array<i32>} : memref<1024x8xf32, #tpu.memory_space<vmem>>, vector<1024x1xf32>,
      %mul3A_296 = arith.mulf %div3A_239, %div3A_148 : vector<1024x128xf32>
      %reduce_sum3A_297 = arith.constant dense<0.000000e+00> : vector<1024xf32>
      %reduce_sum3A_298 = vector.multi_reduction <add>, %mul3A_296, %reduce_sum3A_297 [1] : vector<1024x128xf32> to vector<1024xf32>
      %broadcast_in_dim3A_299 = vector.shape_cast %reduce_sum3A_298 : vector<1024xf32> to vector<1024x1xf32>
      %mul3A_300 = arith.mulf %div3A_239, %div3A_239 : vector<1024x128xf32>
      %reduce_sum3A_301 = arith.constant dense<0.000000e+00> : vector<1024xf32>
      %reduce_sum3A_302 = vector.multi_reduction <add>, %mul3A_300, %reduce_sum3A_301 [1] : vector<1024x128xf32> to vector<1024xf32>
      %broadcast_in_dim3A_303 = vector.shape_cast %reduce_sum3A_302 : vector<1024xf32> to vector<1024x1xf32>
      %sqrt3A_304 = math.sqrt %broadcast_in_dim3A_303 : vector<1024x1xf32>
      %mul3A_305 = arith.mulf %div3A_148, %div3A_148 : vector<1024x128xf32>
      %reduce_sum3A_306 = arith.constant dense<0.000000e+00> : vector<1024xf32>
      %reduce_sum3A_307 = vector.multi_reduction <add>, %mul3A_305, %reduce_sum3A_306 [1] : vector<1024x128xf32> to vector<1024xf32>
      %broadcast_in_dim3A_308 = vector.shape_cast %reduce_sum3A_307 : vector<1024xf32> to vector<1024x1xf32>
      %sqrt3A_309 = math.sqrt %broadcast_in_dim3A_308 : vector<1024x1xf32>
      %mul3A_310 = arith.mulf %sqrt3A_304, %sqrt3A_309 : vector<1024x1xf32>
      %max3A_311 = arith.constant 9.99999993E-9 : f32
      %max3A_312 = vector.broadcast %max3A_311 : f32 to vector<1024x1xf32>
      %max3A_313 = arith.maximumf %mul3A_310, %max3A_312 : vector<1024x1xf32>
      %div3A_314 = arith.divf %broadcast_in_dim3A_299, %max3A_313 : vector<1024x1xf32>
      %swap3A_315 = arith.constant 0 : index
      %swap3A_316 = arith.constant 2 : index
      %swap3A_317 = vector.load %arg14[%swap3A_315, %swap3A_316] : memref<1024x8xf32, #tpu.memory_space<vmem>>, vector<1024x1xf32>
      tpu.vector_store %arg14[%swap3A_315, %swap3A_316], %div3A_314 {strides = array<i32>} : memref<1024x8xf32, #tpu.memory_space<vmem>>, vector<1024x1xf32>,
      %mul3A_318 = arith.mulf %div3A_239, %div3A_174 : vector<1024x128xf32>
      %reduce_sum3A_319 = arith.constant dense<0.000000e+00> : vector<1024xf32>
      %reduce_sum3A_320 = vector.multi_reduction <add>, %mul3A_318, %reduce_sum3A_319 [1] : vector<1024x128xf32> to vector<1024xf32>
      %broadcast_in_dim3A_321 = vector.shape_cast %reduce_sum3A_320 : vector<1024xf32> to vector<1024x1xf32>
      %mul3A_322 = arith.mulf %div3A_239, %div3A_239 : vector<1024x128xf32>
      %reduce_sum3A_323 = arith.constant dense<0.000000e+00> : vector<1024xf32>
      %reduce_sum3A_324 = vector.multi_reduction <add>, %mul3A_322, %reduce_sum3A_323 [1] : vector<1024x128xf32> to vector<1024xf32>
      %broadcast_in_dim3A_325 = vector.shape_cast %reduce_sum3A_324 : vector<1024xf32> to vector<1024x1xf32>
      %sqrt3A_326 = math.sqrt %broadcast_in_dim3A_325 : vector<1024x1xf32>
      %mul3A_327 = arith.mulf %div3A_174, %div3A_174 : vector<1024x128xf32>
      %reduce_sum3A_328 = arith.constant dense<0.000000e+00> : vector<1024xf32>
      %reduce_sum3A_329 = vector.multi_reduction <add>, %mul3A_327, %reduce_sum3A_328 [1] : vector<1024x128xf32> to vector<1024xf32>
      %broadcast_in_dim3A_330 = vector.shape_cast %reduce_sum3A_329 : vector<1024xf32> to vector<1024x1xf32>
      %sqrt3A_331 = math.sqrt %broadcast_in_dim3A_330 : vector<1024x1xf32>
      %mul3A_332 = arith.mulf %sqrt3A_326, %sqrt3A_331 : vector<1024x1xf32>
      %max3A_333 = arith.constant 9.99999993E-9 : f32
      %max3A_334 = vector.broadcast %max3A_333 : f32 to vector<1024x1xf32>
      %max3A_335 = arith.maximumf %mul3A_332, %max3A_334 : vector<1024x1xf32>
      %div3A_336 = arith.divf %broadcast_in_dim3A_321, %max3A_335 : vector<1024x1xf32>
      %swap3A_337 = arith.constant 0 : index
      %swap3A_338 = arith.constant 3 : index
      %swap3A_339 = vector.load %arg14[%swap3A_337, %swap3A_338] : memref<1024x8xf32, #tpu.memory_space<vmem>>, vector<1024x1xf32>
      tpu.vector_store %arg14[%swap3A_337, %swap3A_338], %div3A_336 {strides = array<i32>} : memref<1024x8xf32, #tpu.memory_space<vmem>>, vector<1024x1xf32>,
      %mul3A_340 = arith.mulf %div3A_252, %div3A_200 : vector<1024x128xf32>
      %reduce_sum3A_341 = arith.constant dense<0.000000e+00> : vector<1024xf32>
      %reduce_sum3A_342 = vector.multi_reduction <add>, %mul3A_340, %reduce_sum3A_341 [1] : vector<1024x128xf32> to vector<1024xf32>
      %broadcast_in_dim3A_343 = vector.shape_cast %reduce_sum3A_342 : vector<1024xf32> to vector<1024x1xf32>
      %mul3A_344 = arith.mulf %div3A_252, %div3A_252 : vector<1024x128xf32>
      %reduce_sum3A_345 = arith.constant dense<0.000000e+00> : vector<1024xf32>
      %reduce_sum3A_346 = vector.multi_reduction <add>, %mul3A_344, %reduce_sum3A_345 [1] : vector<1024x128xf32> to vector<1024xf32>
      %broadcast_in_dim3A_347 = vector.shape_cast %reduce_sum3A_346 : vector<1024xf32> to vector<1024x1xf32>
      %sqrt3A_348 = math.sqrt %broadcast_in_dim3A_347 : vector<1024x1xf32>
      %mul3A_349 = arith.mulf %div3A_200, %div3A_200 : vector<1024x128xf32>
      %reduce_sum3A_350 = arith.constant dense<0.000000e+00> : vector<1024xf32>
      %reduce_sum3A_351 = vector.multi_reduction <add>, %mul3A_349, %reduce_sum3A_350 [1] : vector<1024x128xf32> to vector<1024xf32>
      %broadcast_in_dim3A_352 = vector.shape_cast %reduce_sum3A_351 : vector<1024xf32> to vector<1024x1xf32>
      %sqrt3A_353 = math.sqrt %broadcast_in_dim3A_352 : vector<1024x1xf32>
      %mul3A_354 = arith.mulf %sqrt3A_348, %sqrt3A_353 : vector<1024x1xf32>
      %max3A_355 = arith.constant 9.99999993E-9 : f32
      %max3A_356 = vector.broadcast %max3A_355 : f32 to vector<1024x1xf32>
      %max3A_357 = arith.maximumf %mul3A_354, %max3A_356 : vector<1024x1xf32>
      %div3A_358 = arith.divf %broadcast_in_dim3A_343, %max3A_357 : vector<1024x1xf32>
      %swap3A_359 = arith.constant 0 : index
      %swap3A_360 = arith.constant 4 : index
      %swap3A_361 = vector.load %arg14[%swap3A_359, %swap3A_360] : memref<1024x8xf32, #tpu.memory_space<vmem>>, vector<1024x1xf32>
      tpu.vector_store %arg14[%swap3A_359, %swap3A_360], %div3A_358 {strides = array<i32>} : memref<1024x8xf32, #tpu.memory_space<vmem>>, vector<1024x1xf32>,
      %mul3A_362 = arith.mulf %div3A_252, %div3A_226 : vector<1024x128xf32>
      %reduce_sum3A_363 = arith.constant dense<0.000000e+00> : vector<1024xf32>
      %reduce_sum3A_364 = vector.multi_reduction <add>, %mul3A_362, %reduce_sum3A_363 [1] : vector<1024x128xf32> to vector<1024xf32>
      %broadcast_in_dim3A_365 = vector.shape_cast %reduce_sum3A_364 : vector<1024xf32> to vector<1024x1xf32>
      %mul3A_366 = arith.mulf %div3A_252, %div3A_252 : vector<1024x128xf32>
      %reduce_sum3A_367 = arith.constant dense<0.000000e+00> : vector<1024xf32>
      %reduce_sum3A_368 = vector.multi_reduction <add>, %mul3A_366, %reduce_sum3A_367 [1] : vector<1024x128xf32> to vector<1024xf32>
      %broadcast_in_dim3A_369 = vector.shape_cast %reduce_sum3A_368 : vector<1024xf32> to vector<1024x1xf32>
      %sqrt3A_370 = math.sqrt %broadcast_in_dim3A_369 : vector<1024x1xf32>
      %mul3A_371 = arith.mulf %div3A_226, %div3A_226 : vector<1024x128xf32>
      %reduce_sum3A_372 = arith.constant dense<0.000000e+00> : vector<1024xf32>
      %reduce_sum3A_373 = vector.multi_reduction <add>, %mul3A_371, %reduce_sum3A_372 [1] : vector<1024x128xf32> to vector<1024xf32>
      %broadcast_in_dim3A_374 = vector.shape_cast %reduce_sum3A_373 : vector<1024xf32> to vector<1024x1xf32>
      %sqrt3A_375 = math.sqrt %broadcast_in_dim3A_374 : vector<1024x1xf32>
      %mul3A_376 = arith.mulf %sqrt3A_370, %sqrt3A_375 : vector<1024x1xf32>
      %max3A_377 = arith.constant 9.99999993E-9 : f32
      %max3A_378 = vector.broadcast %max3A_377 : f32 to vector<1024x1xf32>
      %max3A_379 = arith.maximumf %mul3A_376, %max3A_378 : vector<1024x1xf32>
      %div3A_380 = arith.divf %broadcast_in_dim3A_365, %max3A_379 : vector<1024x1xf32>
      %swap3A_381 = arith.constant 0 : index
      %swap3A_382 = arith.constant 5 : index
      %swap3A_383 = vector.load %arg14[%swap3A_381, %swap3A_382] : memref<1024x8xf32, #tpu.memory_space<vmem>>, vector<1024x1xf32>
      tpu.vector_store %arg14[%swap3A_381, %swap3A_382], %div3A_380 {strides = array<i32>} : memref<1024x8xf32, #tpu.memory_space<vmem>>, vector<1024x1xf32>,
      %broadcast_in_dim3A_384 = arith.constant 0.000000e+00 : f32
      %broadcast_in_dim3A_385 = vector.broadcast %broadcast_in_dim3A_384 : f32 to vector<1024x2xf32>
      %swap3A_386 = arith.constant 0 : index
      %swap3A_387 = arith.constant 6 : index
      %swap3A_388 = vector.load %arg14[%swap3A_386, %swap3A_387] : memref<1024x8xf32, #tpu.memory_space<vmem>>, vector<1024x2xf32>
      tpu.vector_store %arg14[%swap3A_386, %swap3A_387], %broadcast_in_dim3A_385 {strides = array<i32>} : memref<1024x8xf32, #tpu.memory_space<vmem>>, vector<1024x2xf32>,
    } else {
    }
    return
  }
  func.func @transform_0(%arg0: i32, %arg1: i32) -> (i32, i32) {
    %mul3A = arith.constant 16 : i32
    %mul3A_0 = arith.muli %arg0, %mul3A : i32
    %add3A = arith.addi %mul3A_0, %arg1 : i32
    %c0_i32 = arith.constant 0 : i32
    %c0_i32_1 = arith.constant 0 : i32
    return %add3A, %c0_i32 : i32, i32
  }
  func.func @transform_1(%arg0: i32, %arg1: i32) -> (i32, i32, i32) {
    %c0_i32 = arith.constant 0 : i32
    %c0_i32_0 = arith.constant 0 : i32
    %c0_i32_1 = arith.constant 0 : i32
    return %arg0, %c0_i32, %c0_i32_0 : i32, i32, i32
  }
  func.func @transform_2(%arg0: i32, %arg1: i32) -> (i32, i32, i32) {
    %c0_i32 = arith.constant 0 : i32
    %c0_i32_0 = arith.constant 0 : i32
    %c0_i32_1 = arith.constant 0 : i32
    return %arg0, %c0_i32, %c0_i32_0 : i32, i32, i32
  }
  func.func @transform_3(%arg0: i32, %arg1: i32) -> (i32, i32) {
    %c100_i32 = arith.constant 100 : i32
    %c0_i32 = arith.constant 0 : i32
    %c0_i32_0 = arith.constant 0 : i32
    return %c100_i32, %c0_i32 : i32, i32
  }
  func.func @transform_4(%arg0: i32, %arg1: i32) -> (i32, i32) {
    %c101_i32 = arith.constant 101 : i32
    %c0_i32 = arith.constant 0 : i32
    %c0_i32_0 = arith.constant 0 : i32
    return %c101_i32, %c0_i32 : i32, i32
  }
  func.func @transform_5(%arg0: i32, %arg1: i32) -> (i32, i32) {
    %c102_i32 = arith.constant 102 : i32
    %c0_i32 = arith.constant 0 : i32
    %c0_i32_0 = arith.constant 0 : i32
    return %c102_i32, %c0_i32 : i32, i32
  }
  func.func @transform_6(%arg0: i32, %arg1: i32) -> (i32, i32) {
    %c0_i32 = arith.constant 0 : i32
    %c0_i32_0 = arith.constant 0 : i32
    %c0_i32_1 = arith.constant 0 : i32
    return %c0_i32, %c0_i32_0 : i32, i32
  }
  func.func @transform_7(%arg0: i32, %arg1: i32) -> (i32, i32) {
    %c0_i32 = arith.constant 0 : i32
    %c0_i32_0 = arith.constant 0 : i32
    %c0_i32_1 = arith.constant 0 : i32
    return %c0_i32, %c0_i32_0 : i32, i32
  }
  func.func @transform_8(%arg0: i32, %arg1: i32) -> (i32, i32) {
    %c0_i32 = arith.constant 0 : i32
    %c0_i32_0 = arith.constant 0 : i32
    %c0_i32_1 = arith.constant 0 : i32
    return %c0_i32, %c0_i32_0 : i32, i32
  }
  func.func @transform_9(%arg0: i32, %arg1: i32) -> (i32, i32) {
    %c0_i32 = arith.constant 0 : i32
    %c0_i32_0 = arith.constant 0 : i32
    %c0_i32_1 = arith.constant 0 : i32
    return %c0_i32, %c0_i32_0 : i32, i32
  }
  func.func @transform_10(%arg0: i32, %arg1: i32) -> (i32, i32) {
    %c0_i32 = arith.constant 0 : i32
    %c0_i32_0 = arith.constant 0 : i32
    %c0_i32_1 = arith.constant 0 : i32
    return %c0_i32, %c0_i32_0 : i32, i32
  }
  func.func @transform_11(%arg0: i32, %arg1: i32) -> (i32, i32) {
    %c0_i32 = arith.constant 0 : i32
    %c0_i32_0 = arith.constant 0 : i32
    %c0_i32_1 = arith.constant 0 : i32
    return %c0_i32, %c0_i32_0 : i32, i32
  }
  func.func @transform_12(%arg0: i32, %arg1: i32) -> (i32, i32) {
    %c0_i32 = arith.constant 0 : i32
    %c0_i32_0 = arith.constant 0 : i32
    %c0_i32_1 = arith.constant 0 : i32
    return %c0_i32, %c0_i32_0 : i32, i32
  }
}

</mosaic_0001>

<sc_bundles>
// kernel: kernel.4.cloned.1.call-start
scs
__scs_entry_jumppad:
0x0: {  	(pc) =	sbr.rel $0x88, $3  }
0x1: {  	(tag) =	ssettag $0x0;
	lr =	simm.s32 $0x1  }
0x2: {  	[smem:$0x3F95] =	sst lr;
	_ =	strace $0xD0000000  }
0x3: {  	_ = 	snop  }
0x4: {  	_ = 	snop  }
0x5: {  	_ = 	snop  }
0x6: {  	_ = 	snop  }
0x7: {  	_ = 	snop  }
__scs_overlays_trampoline_lowered:
0x8: {  	[smem:$0x3FA4] =	sst s0  }
0x9: {  	[smem:$0x3FA5] =	sst s1  }
0xa: {  	[smem:$0x3FA6] =	sst s2  }
0xb: {  	[smem:$0x3FA7] =	sst s3  }
0xc: {  	[smem:$0x3FA8] =	sst s4  }
0xd: {  	[smem:$0x3FA9] =	sst s5  }
0xe: {  	[smem:$0x3FAA] =	sst s6  }
0xf: {  	[smem:$0x3FAB] =	sst s7  }
0x10: {  	[smem:$0x3FAC] =	sst s8  }
0x11: {  	[smem:$0x3FAD] =	sst s9;
	s0 =	simm.s32 @!p0 $0x0  }
0x12: {  	s1 =	sld [smem:$0x3F93];
	s0 =	simm.s32 @p0 $0x1  }
0x13: {  	[smem:$0x3FAE] =	sst s0;
	s0 =	simm.s32 @!p1 $0x0  }
0x14: {  	s2 =	sld [smem:$0x3F92];
	s0 =	simm.s32 @p1 $0x1  }
0x15: {  	[smem:$0x3FAF] =	sst s0;
	s0 =	simm.s32 @!p2 $0x0  }
0x16: {  	s3 =	sld [smem:$0x3FDB];
	s0 =	simm.s32 @p2 $0x1  }
0x17: {  	s4 =	simm.s32 $0x1BF5;
	[smem:$0x3FB1] =	sst s0  }
0x18: {  	s0 =	sld [smem:$0x3F94];
	_ =	swait.ge [sflag:s4], $0x0  }
0x19: {  	s7 =	sld [smem:$0x3F95]  }
0x1a: {  	s8 =	sadd.s32 $0xFFFFE003, lr  }
0x1b: {  	s9 =	sadd.s32 $0xFFFFFEF7, lr;
	s5 =	simm.s32 $0xFFFFFFFF;
	p2 =	slt.u32 s8, $0xFFFFF086  }
0x1c: {  	p1 =	slt.u32 s9, $0xF7A;
	s5 =	simm.s32 @!p2 $0x0  }
0x1d: {  	s5 =	simm.s32 @p1 $0x1;
	p0 =	seq.s32 s7, s2  }
0x1e: {  	s7 =	smul.u32 @!p0 $0xF7A, s2;
	p2 =	seq.s32 @!p0 s5, $0x0  }
0x1f: {  	s9 =	smul.u32 $0xF7A, s1;
	s8 =	simm.s32 @!p0 $0x1BF5;
	p2 =	por !p2, p0  }
0x20: {  	[sflag:s8] =	ssyncset.s32 @!p0 $0xFFFFF086;
	s6 =	sadd.s32 @!p0 s3, s7;
	s7 =	simm.s32 @!p0 $0x108  }
0x21: {  	s3 =	sadd.s32 s3, s9;
	s6 =	sadd.s32 @!p0 $0x88, s6;
	s7 =	simm.s32 @p2 $0x1082  }
0x22: {  	[simem:s7], [sflag:s8] =	dma.local @!p0 [hbm:s6], $0xF7A  }
0x23: {  	s9 =	sor.u32 $0xD0000000, s2;
	s6 =	simm.s32 $0x108;
	_ =	swait.ge @!p0 [sflag:s8], $0x0  }
0x24: {  	s3 =	sadd.s32 $0x88, s3;
	s6 =	simm.s32 @!p1 $0x1082;
	[sflag:s4] =	ssyncset.s32 $0xFFFFF086  }
0x25: {  	[simem:s6], [sflag:s4] =	dma.local [hbm:s3], $0xF7A  }
0x26: {  	[smem:$0x3F95] =	sst s1;
	(tag) =	ssettag s2;
	_ =	strace s9  }
0x27: {  	s1 =	sld [smem:$0x3FA5]  }
0x28: {  	s2 =	sld [smem:$0x3FA6]  }
0x29: {  	s4 =	sld [smem:$0x3FA8]  }
0x2a: {  	p0 =	seq.s32 s5, $0x0;
	s5 =	sld [smem:$0x3FA9]  }
0x2b: {  	s6 =	sld [smem:$0x3FAA]  }
0x2c: {  	s7 =	sld [smem:$0x3FAB]  }
0x2d: {  	s3 =	simm.s32 $0x108;
	s8 =	sld [smem:$0x3FAC]  }
0x2e: {  	s3 =	simm.s32 @!p0 $0x1082;
	s9 =	sld [smem:$0x3FAD]  }
0x2f: {  	lr =	sadd.s32 s0, s3;
	s0 =	sld [smem:$0x3FA4]  }
0x30: {  	s3 =	sld [smem:$0x3FA7]  }
0x31: {  	[smem:$0x3FB0] =	sst s10  }
0x32: {  	s10 =	sld [smem:$0x3FAE];
	_ =	sdelay $0x3  }
0x33: {  	p0 =	seq.s32 s10, $0x1;
	s10 =	sld [smem:$0x3FB0];
	_ =	sdelay $0x3  }
0x34: {  	[smem:$0x3FB0] =	sst s10  }
0x35: {  	s10 =	sld [smem:$0x3FAF];
	_ =	sdelay $0x3  }
0x36: {  	p1 =	seq.s32 s10, $0x1;
	s10 =	sld [smem:$0x3FB0];
	_ =	sdelay $0x3  }
0x37: {  	[smem:$0x3FB0] =	sst s10  }
0x38: {  	s10 =	sld [smem:$0x3FB1]  }
0x39: {  	_ = 	snop;
	(pc) =	sbr.ind lr, $3  }
0x3a: {  	_ = 	snop  }
0x3b: {  	_ = 	snop  }
0x3c: {  	p2 =	seq.s32 s10, $0x1;
	s10 =	sld [smem:$0x3FB0]  }
0x3d: {  	_ =	shalt  }
0x3e: {  	_ =	shalt  }
0x3f: {  	_ =	shalt  }
0x40: {  	_ =	shalt  }
0x41: {  	_ =	shalt  }
0x42: {  	_ =	shalt  }
0x43: {  	_ =	shalt  }
0x44: {  	_ =	shalt  }
0x45: {  	_ =	shalt  }
0x46: {  	_ =	shalt  }
0x47: {  	_ =	shalt  }
0x48: {  	_ =	shalt  }
0x49: {  	_ =	shalt  }
0x4a: {  	_ =	shalt  }
0x4b: {  	_ =	shalt  }
0x4c: {  	_ =	shalt  }
0x4d: {  	_ =	shalt  }
0x4e: {  	_ =	shalt  }
0x4f: {  	_ =	shalt  }
0x50: {  	_ =	shalt  }
0x51: {  	_ =	shalt  }
0x52: {  	_ =	shalt  }
0x53: {  	_ =	shalt  }
0x54: {  	_ =	shalt  }
0x55: {  	_ =	shalt  }
0x56: {  	_ =	shalt  }
0x57: {  	_ =	shalt  }
0x58: {  	_ =	shalt  }
0x59: {  	_ =	shalt  }
0x5a: {  	_ =	shalt  }
0x5b: {  	_ =	shalt  }
0x5c: {  	_ =	shalt  }
0x5d: {  	_ =	shalt  }
0x5e: {  	_ =	shalt  }
0x5f: {  	_ =	shalt  }
0x60: {  	_ =	shalt  }
0x61: {  	_ =	shalt  }
0x62: {  	_ =	shalt  }
0x63: {  	_ =	shalt  }
0x64: {  	_ =	shalt  }
0x65: {  	_ =	shalt  }
0x66: {  	_ =	shalt  }
0x67: {  	_ =	shalt  }
0x68: {  	_ =	shalt  }
0x69: {  	_ =	shalt  }
0x6a: {  	_ =	shalt  }
0x6b: {  	_ =	shalt  }
0x6c: {  	_ =	shalt  }
0x6d: {  	_ =	shalt  }
0x6e: {  	_ =	shalt  }
0x6f: {  	_ =	shalt  }
0x70: {  	_ =	shalt  }
0x71: {  	_ =	shalt  }
0x72: {  	_ =	shalt  }
0x73: {  	_ =	shalt  }
0x74: {  	_ =	shalt  }
0x75: {  	_ =	shalt  }
0x76: {  	_ =	shalt  }
0x77: {  	_ =	shalt  }
0x78: {  	_ =	shalt  }
0x79: {  	_ =	shalt  }
0x7a: {  	_ =	shalt  }
0x7b: {  	_ =	shalt  }
0x7c: {  	_ =	shalt  }
0x7d: {  	_ =	shalt  }
0x7e: {  	_ =	shalt  }
0x7f: {  	_ =	shalt  }
0x80: {  	_ =	shalt  }
0x81: {  	_ =	shalt  }
0x82: {  	_ =	shalt  }
0x83: {  	_ =	shalt  }
0x84: {  	_ =	shalt  }
0x85: {  	_ =	shalt  }
0x86: {  	_ =	shalt  }
0x87: {  	_ =	shalt  }
.Lfunc_end0:
.L_simem_size_0:
called_computation_lowered:
.L_overlay_start_0:
0x88: {  	s2 =	sld [smem:$0x3FD9]  }
0x89: {  	s3 =	sld [smem:$0x3FFE];
	_ =	sdelay $0x1  }
0x8a: {  	s1 =	srdreg.scid  }
0x8b: {  	s0 =	sand.u32 $0x1, s1  }
0x8c: {  	s17 =	sshll.u32 s0, $0xA;
	s2 =	sadd.s32 s3, s2  }
0x8d: {  	s2 =	sadd.s32 s2, s17  }
0x8e: {  	[smem:$0x3FBC] =	sst s2  }
0x8f: {  	_ = 	snop  }
0x90: {  	s2 =	sld [smem:$0x3FC4];
	(tm) =	ssettm $0x1  }
0x91: {  	s18 =	sld [smem:$0x3FFB];
	_ =	sdelay $0x3  }
0x92: {  	_ =	strace s18  }
0x93: {  	s3 =	sld [smem:$0x3FFC];
	_ =	sdelay $0x3  }
0x94: {  	_ =	strace s3  }
0x95: {  	s3 =	sld [smem:$0x3FFD];
	_ =	sdelay $0x3  }
0x96: {  	_ =	strace s3  }
0x97: {  	_ =	strace $0x8FFFFFFF  }
0x98: {  	s19 =	sld [smem:$0x3FDB];
	_ =	sdelay $0x1  }
0x99: {  	s4 =	simm.s32 $_scs_section_size  }
0x9a: {  	s5 =	simm.s32 $_size__tile_overlayer_lowered;
	s6 =	simm.s32 $_tile_overlayer_lowered  }
0x9b: {  	s22 =	simm.s32 $0x1BFF;
	s21 =	sshll.u32 s6, $0x1;
	s3 =	sadd.s32 s4, s19  }
0x9c: {  	s7 =	simm.s32 $0x0;
	s20 =	sshll.u32 s5, $0x1;
	s5 =	sadd.s32 s21, s3  }
0x9d: {  	[timem:s7], [sflag:s22] =	dma.local [hbm:s5], s20  }
0x9e: {  	_ =	swait.ge [sflag:s22], s20  }
0x9f: {  	s4 =	ssub.s32 $0x0, s20;
	[sflag:s22] =	ssyncset.done $0x0  }
0xa0: {  	[sflag:s22] =	ssyncadd.s32 s4;
	_ =	sdelay $0x1  }
0xa1: {  	s23 =	simm.s32 $0x1B8B  }
0xa2: {  	_ =	swait.ge [sflag:s23], $0x1  }
0xa3: {  	[sflag:s23] =	ssyncset.done $0x0  }
0xa4: {  	s25 =	simm.s32 $0x1B8E;
	s24 =	sld [smem:$0x3FFE];
	[sflag:s23] =	ssyncadd.s32 $0xFFFFFFFF  }
0xa5: {  	s26 =	simm.s32 $execute0_lowered;
	[smem:$0x3FD2] =	sst s25  }
0xa6: {  	s5 =	sshll.u32 s26, $0x1;
	_ =	strace $0x80000046;
	[dreg:$0x1] =	wrdreg $0xFFFFFFFF  }
0xa7: {  	s28 =	simm.s32 $_size_execute0_lowered;
	s3 =	sadd.s32 s3, s5;
	[dreg:$0x0] =	wrdreg $0x0  }
0xa8: {  	s5 =	sshll.u32 s28, $0x1;
	[dreg:$0x2] =	wrdreg s3  }
0xa9: {  	[dreg:$0x3] =	wrdreg s5  }
0xaa: {  	[dreg:$0x4] =	wrdreg $0xC0  }
0xab: {  	_ =	task [dreg:s7], $0x5FFFF  }
0xac: {  	[dreg:$0x1] =	wrdreg $0xFFFFFFFF  }
0xad: {  	[dreg:$0x0] =	wrdreg $0x60  }
0xae: {  	[dreg:$0x2] =	wrdreg s2  }
0xaf: {  	[dreg:$0x3] =	wrdreg s24  }
0xb0: {  	[dreg:$0x4] =	wrdreg $0x9  }
0xb1: {  	_ =	task.clear_ibuf [dreg:s7], $0x5FFFF;
	_ =	strace $0x90000046  }
0xb2: {  	s29 =	simm.s32 $0x9;
	_ =	strace $0x80000048  }
0xb3: {  	_ =	swait.ge [sflag:s29], $0x1  }
0xb4: {  	[sflag:s29] =	ssyncadd.s32 $0xFFFFFFFF  }
0xb5: {  	_ =	strace $0x90000048  }
0xb6: {  	_ =	sfence  }
0xb7: {  	s30 =	sld [smem:$0x0];
	_ =	sdelay $0x2  }
0xb8: {  	s31 =	sshll.u32 s1, $0xD;
	s1 =	sshrl.u32 s1, $0x2  }
0xb9: {  	s3 =	sand.u32 $0x4000, s31;
	s1 =	sadd.s32 s1, s30  }
0xba: {  	s0 =	sor.u32 s3, s0;
	s1 =	sshll.u32 s1, $0x11  }
0xbb: {  	s0 =	sor.u32 s1, s0  }
0xbc: {  	s0 =	sadd.s32 $0x8F2B, s0  }
0xbd: {  	[sflag:s0] =	ssyncadd.remote.s32 $0x1  }
0xbe: {  	_ =	sfence.sel $0xFFFF  }
0xbf: {  	[dreg:$0x0] =	wrdreg $0xFFFFFFFF;
	(pc) =	sbr.abs _section_cstart, $3  }
0xc0: {  	[dreg:$0x1] =	wrdreg $0xFFFFFFFF  }
0xc1: {  	_ =	task.clear_ibuf [dreg:s7], $0x2FFFF;
	_ =	strace $0x9FFFFFFF  }
0xc2: {  	(tm) =	ssettm $0x7FFFFFFF  }
0xc3: {  	_ =	shalt  }
tec
execute0_lowered:
.L_overlay_start_1:
0x0: {  	(tag) =	ssettag $0x1  }
0x1: {  	s2 =	rddreg [dreg:$0x0];
	s0 =	srdreg.scid  }
0x2: {  	s5 =	stileid.u32;
	s1 =	rddreg [dreg:$0x1]  }
0x3: {  	s3 =	simm.s32 $0x0;
	s8 =	simm.s32 $0x3;
	s9 =	simm.s32 $0xD00  }
0x4: {  	s10 =	simm.s32 $0xDD00;
	s17 =	simm.s32 $0xE500;
	s18 =	simm.s32 $0x11D00  }
0x5: {  	s19 =	simm.s32 $0x12500;
	s20 =	simm.s32 $0x12D00;
	s21 =	simm.s32 $0x13500  }
0x6: {  	s22 =	simm.s32 $0x13D00;
	s23 =	simm.s32 $0x14500;
	s24 =	simm.s32 $0x14D00  }
0x7: {  	s25 =	simm.s32 $0x15500;
	s28 =	simm.s32 $0x16500;
	s29 =	simm.s32 $0x16D00  }
0x8: {  	s30 =	simm.s32 $0x17500;
	s31 =	simm.s32 $0x17D00;
	s11 =	simm.s32 $0x1A500  }
0x9: {  	s12 =	simm.s32 $0x1;
	s0 =	sand.u32 $0x1, s0;
	s4 =	sshll.u32 s5, $0x1  }
0xa: {  	s13 =	simm.s32 $0x2;
	s15 =	simm.s32 $0x0;
	s4 =	sor.u32 s0, s4  }
0xb: {  	[smem:$0x7FF] =	sst s3;
	s6 =	ssub.s32 $0x2, s0;
	s4 =	smul.u32 $0xD00, s4  }
0xc: {  	s5 =	smul.u32 $0x68000, s5;
	_ =	strace $0x80000047;
	s7 =	sshrl.u32 s6, $0x1  }
0xd: {  	s0 =	smul.u32 $0x34000, s0;
	s6 =	ssub.s32 s6, s7;
	s4 =	sshrl.u32 s4, $0x3  }
.Ltmp0:
0xe: {  	s26 =	smax.u32 s6, $0x1;
	s6 =	simm.s32 $0x19D00;
	(pc) =	sbr.rel .LBB2_1-.Ltmp0, $4  }
0xf: {  	s4 =	sadd.s32 s4, s1;
	s1 =	sadd.s32 s5, s1;
	s5 =	sadd.s32 $0x100, s2  }
0x10: {  	v2 =	vlaneseq.u32;
	[dreg:$0x4] =	wrdreg s26;
	s26 =	simm.s32 $0x15D00;
	s4 =	sadd.s32 $0x1200, s4  }
0x11: {  	vm0 =	vmmov $0xffff;
	v1 =	vshrl.u32 v2, $0x3;
	s0 =	sadd.s32 s0, s1;
	s1 =	simm.s32 $0x18500;
	[dreg:$0x3] =	wrdreg s4  }
0x12: {  	v0 =	vand.u32 $0x7, v2;
	v2 =	vor.u32 $0x8, v2;
	v1 =	vmul.u32 $0x8, v1;
	s7 =	sadd.s32 $0x4600, s0;
	s0 =	simm.s32 $0x18D00;
	s4 =	simm.s32 $0x19500  }
.LBB2_6:
0x13: {  	s15 =	rddreg [dreg:$0x5]  }
0x14: {  	s14 =	rddreg [dreg:$0x4];
	s15 =	sadd.s32 $0x1, s15  }
0x15: {  	p0 =	sne.s32 s15, s14  }
.Ltmp1:
0x16: {  	_ = 	snop;
	(pc) =	sbr.rel @!p0 .LBB2_7-.Ltmp1, $1  }
0x17: {  	_ =	sdelay $0x3  }
.LBB2_1:
0x18: {  	[dreg:$0x5] =	wrdreg s15  }
0x19: {  	s14 =	rddreg [dreg:$0x3]  }
0x1a: {  	[tilespmem:s3], [sflag:$0x3] =	stream.linear.gather [hbm4b:s14+s3], $0xD00, $0x38;
	[tilespmem:$0x1AD00] =	vst v63  }
0x1b: {  	_ =	swait.ge [sflag:s8], $0xD00  }
0x1c: {  	[sflag:s8] =	ssyncset.done $0x0  }
0x1d: {  	[sflag:s8] =	ssyncadd.s32 $0xFFFFF300  }
0x1e: {  	v3 =	vld [tilespmem:$0x0];
	_ =	sdelay $0x4  }
0x1f: {  	v4 =	vshll.u32 v3, $0x2  }
0x20: {  	v3 =	vand.u32 $0x7, v3;
	v4 =	vand.u32 $0xFFFFFFE0, v4  }
0x21: {  	v3 =	vor.u32 v3, v4  }
0x22: {  	v4 =	vperm.xlane v3, v0;
	_ =	sdelay $0x1  }
0x23: {  	v4 =	vadd.s32 v1, v4;
	_ =	sdelay $0x1  }
0x24: {  	v3 =	vperm.xlane v3, v2;
	_ =	sdelay $0x1  }
0x25: {  	v3 =	vadd.s32 v1, v3  }
0x26: {  	[tilespmem:s9], [sflag:$0x1] =	stream.indirect_vreg.gather [hbm4b:s2+s3], $0x80, v4, vm0, $0xb8;
	[tilespmem:$0x1AD00] =	vst v63  }
0x27: {  	s16 =	simm.s32 $0x1500  }
0x28: {  	[tilespmem:s16], [sflag:$0x1] =	stream.indirect_vreg.gather [hbm4b:s5+s3], $0x80, v4, vm0, $0xb8;
	[tilespmem:$0x1AD00] =	vst v63  }
0x29: {  	s15 =	simm.s32 $0x1D00  }
0x2a: {  	[tilespmem:s15], [sflag:$0x1] =	stream.indirect_vreg.gather [hbm4b:s2+s3], $0x80, v3, vm0, $0xb8;
	[tilespmem:$0x1AD00] =	vst v63  }
0x2b: {  	s16 =	simm.s32 $0x2500  }
0x2c: {  	[tilespmem:s16], [sflag:$0x1] =	stream.indirect_vreg.gather [hbm4b:s5+s3], $0x80, v3, vm0, $0xb8;
	[tilespmem:$0x1AD00] =	vst v63  }
0x2d: {  	v3 =	vld [tilespmem:$0x10];
	_ =	sdelay $0x4  }
0x2e: {  	v51 =	vshll.u32 v3, $0x2  }
0x2f: {  	v3 =	vand.u32 $0x7, v3;
	v4 =	vand.u32 $0xFFFFFFE0, v51  }
0x30: {  	v3 =	vor.u32 v3, v4  }
0x31: {  	v4 =	vperm.xlane v3, v0;
	_ =	sdelay $0x1  }
0x32: {  	v4 =	vadd.s32 v1, v4;
	_ =	sdelay $0x1  }
0x33: {  	v3 =	vperm.xlane v3, v2;
	_ =	sdelay $0x1  }
0x34: {  	s15 =	simm.s32 $0x2D00;
	v3 =	vadd.s32 v1, v3  }
0x35: {  	[tilespmem:s15], [sflag:$0x1] =	stream.indirect_vreg.gather [hbm4b:s2+s3], $0x80, v4, vm0, $0xb8;
	[tilespmem:$0x1AD00] =	vst v63  }
0x36: {  	s16 =	simm.s32 $0x3500  }
0x37: {  	[tilespmem:s16], [sflag:$0x1] =	stream.indirect_vreg.gather [hbm4b:s5+s3], $0x80, v4, vm0, $0xb8;
	[tilespmem:$0x1AD00] =	vst v63  }
0x38: {  	s15 =	simm.s32 $0x3D00  }
0x39: {  	[tilespmem:s15], [sflag:$0x1] =	stream.indirect_vreg.gather [hbm4b:s2+s3], $0x80, v3, vm0, $0xb8;
	[tilespmem:$0x1AD00] =	vst v63  }
0x3a: {  	s16 =	simm.s32 $0x4500  }
0x3b: {  	[tilespmem:s16], [sflag:$0x1] =	stream.indirect_vreg.gather [hbm4b:s5+s3], $0x80, v3, vm0, $0xb8;
	[tilespmem:$0x1AD00] =	vst v63  }
0x3c: {  	v3 =	vld [tilespmem:$0x20];
	_ =	sdelay $0x4  }
0x3d: {  	v52 =	vshll.u32 v3, $0x2  }
0x3e: {  	v3 =	vand.u32 $0x7, v3;
	v4 =	vand.u32 $0xFFFFFFE0, v52  }
0x3f: {  	v3 =	vor.u32 v3, v4  }
0x40: {  	v4 =	vperm.xlane v3, v0;
	_ =	sdelay $0x1  }
0x41: {  	v4 =	vadd.s32 v1, v4;
	_ =	sdelay $0x1  }
0x42: {  	v3 =	vperm.xlane v3, v2;
	_ =	sdelay $0x1  }
0x43: {  	s15 =	simm.s32 $0x4D00;
	v3 =	vadd.s32 v1, v3  }
0x44: {  	[tilespmem:s15], [sflag:$0x1] =	stream.indirect_vreg.gather [hbm4b:s2+s3], $0x80, v4, vm0, $0xb8;
	[tilespmem:$0x1AD00] =	vst v63  }
0x45: {  	s16 =	simm.s32 $0x5500  }
0x46: {  	[tilespmem:s16], [sflag:$0x1] =	stream.indirect_vreg.gather [hbm4b:s5+s3], $0x80, v4, vm0, $0xb8;
	[tilespmem:$0x1AD00] =	vst v63  }
0x47: {  	s15 =	simm.s32 $0x5D00  }
0x48: {  	[tilespmem:s15], [sflag:$0x1] =	stream.indirect_vreg.gather [hbm4b:s2+s3], $0x80, v3, vm0, $0xb8;
	[tilespmem:$0x1AD00] =	vst v63  }
0x49: {  	s16 =	simm.s32 $0x6500  }
0x4a: {  	[tilespmem:s16], [sflag:$0x1] =	stream.indirect_vreg.gather [hbm4b:s5+s3], $0x80, v3, vm0, $0xb8;
	[tilespmem:$0x1AD00] =	vst v63  }
0x4b: {  	v3 =	vld [tilespmem:$0x30];
	_ =	sdelay $0x4  }
0x4c: {  	v53 =	vshll.u32 v3, $0x2  }
0x4d: {  	v3 =	vand.u32 $0x7, v3;
	v4 =	vand.u32 $0xFFFFFFE0, v53  }
0x4e: {  	v3 =	vor.u32 v3, v4  }
0x4f: {  	v4 =	vperm.xlane v3, v0;
	_ =	sdelay $0x1  }
0x50: {  	v4 =	vadd.s32 v1, v4;
	_ =	sdelay $0x1  }
0x51: {  	v3 =	vperm.xlane v3, v2;
	_ =	sdelay $0x1  }
0x52: {  	s15 =	simm.s32 $0x6D00;
	v3 =	vadd.s32 v1, v3  }
0x53: {  	[tilespmem:s15], [sflag:$0x1] =	stream.indirect_vreg.gather [hbm4b:s2+s3], $0x80, v4, vm0, $0xb8;
	[tilespmem:$0x1AD00] =	vst v63  }
0x54: {  	s16 =	simm.s32 $0x7500  }
0x55: {  	[tilespmem:s16], [sflag:$0x1] =	stream.indirect_vreg.gather [hbm4b:s5+s3], $0x80, v4, vm0, $0xb8;
	[tilespmem:$0x1AD00] =	vst v63  }
0x56: {  	s15 =	simm.s32 $0x7D00  }
0x57: {  	[tilespmem:s15], [sflag:$0x1] =	stream.indirect_vreg.gather [hbm4b:s2+s3], $0x80, v3, vm0, $0xb8;
	[tilespmem:$0x1AD00] =	vst v63  }
0x58: {  	s16 =	simm.s32 $0x8500  }
0x59: {  	[tilespmem:s16], [sflag:$0x1] =	stream.indirect_vreg.gather [hbm4b:s5+s3], $0x80, v3, vm0, $0xb8;
	[tilespmem:$0x1AD00] =	vst v63  }
0x5a: {  	v3 =	vld [tilespmem:$0x40];
	_ =	sdelay $0x4  }
0x5b: {  	v54 =	vshll.u32 v3, $0x2  }
0x5c: {  	v3 =	vand.u32 $0x7, v3;
	v4 =	vand.u32 $0xFFFFFFE0, v54  }
0x5d: {  	v3 =	vor.u32 v3, v4  }
0x5e: {  	v4 =	vperm.xlane v3, v0;
	_ =	sdelay $0x1  }
0x5f: {  	v4 =	vadd.s32 v1, v4;
	_ =	sdelay $0x1  }
0x60: {  	v3 =	vperm.xlane v3, v2;
	_ =	sdelay $0x1  }
0x61: {  	s15 =	simm.s32 $0x8D00;
	v3 =	vadd.s32 v1, v3  }
0x62: {  	[tilespmem:s15], [sflag:$0x1] =	stream.indirect_vreg.gather [hbm4b:s2+s3], $0x80, v4, vm0, $0xb8;
	[tilespmem:$0x1AD00] =	vst v63  }
0x63: {  	s16 =	simm.s32 $0x9500  }
0x64: {  	[tilespmem:s16], [sflag:$0x1] =	stream.indirect_vreg.gather [hbm4b:s5+s3], $0x80, v4, vm0, $0xb8;
	[tilespmem:$0x1AD00] =	vst v63  }
0x65: {  	s15 =	simm.s32 $0x9D00  }
0x66: {  	[tilespmem:s15], [sflag:$0x1] =	stream.indirect_vreg.gather [hbm4b:s2+s3], $0x80, v3, vm0, $0xb8;
	[tilespmem:$0x1AD00] =	vst v63  }
0x67: {  	s16 =	simm.s32 $0xA500  }
0x68: {  	[tilespmem:s16], [sflag:$0x1] =	stream.indirect_vreg.gather [hbm4b:s5+s3], $0x80, v3, vm0, $0xb8;
	[tilespmem:$0x1AD00] =	vst v63  }
0x69: {  	v3 =	vld [tilespmem:$0x50];
	_ =	sdelay $0x4  }
0x6a: {  	v55 =	vshll.u32 v3, $0x2  }
0x6b: {  	v3 =	vand.u32 $0x7, v3;
	v4 =	vand.u32 $0xFFFFFFE0, v55  }
0x6c: {  	v3 =	vor.u32 v3, v4  }
0x6d: {  	v4 =	vperm.xlane v3, v0;
	_ =	sdelay $0x1  }
0x6e: {  	v4 =	vadd.s32 v1, v4;
	_ =	sdelay $0x1  }
0x6f: {  	v3 =	vperm.xlane v3, v2;
	_ =	sdelay $0x1  }
0x70: {  	s15 =	simm.s32 $0xAD00;
	v3 =	vadd.s32 v1, v3  }
0x71: {  	[tilespmem:s15], [sflag:$0x1] =	stream.indirect_vreg.gather [hbm4b:s2+s3], $0x80, v4, vm0, $0xb8;
	[tilespmem:$0x1AD00] =	vst v63  }
0x72: {  	s16 =	simm.s32 $0xB500  }
0x73: {  	[tilespmem:s16], [sflag:$0x1] =	stream.indirect_vreg.gather [hbm4b:s5+s3], $0x80, v4, vm0, $0xb8;
	[tilespmem:$0x1AD00] =	vst v63  }
0x74: {  	s15 =	simm.s32 $0xBD00  }
0x75: {  	[tilespmem:s15], [sflag:$0x1] =	stream.indirect_vreg.gather [hbm4b:s2+s3], $0x80, v3, vm0, $0xb8;
	[tilespmem:$0x1AD00] =	vst v63  }
0x76: {  	s16 =	simm.s32 $0xC500  }
0x77: {  	[tilespmem:s16], [sflag:$0x1] =	stream.indirect_vreg.gather [hbm4b:s5+s3], $0x80, v3, vm0, $0xb8;
	[tilespmem:$0x1AD00] =	vst v63  }
0x78: {  	v3 =	vld.msk [tilespmem:$0x60], $0xff;
	_ =	sdelay $0x4  }
0x79: {  	v56 =	vshll.u32 v3, $0x2  }
0x7a: {  	v3 =	vand.u32 $0x7, v3;
	v4 =	vand.u32 $0xFFFFFFE0, v56  }
0x7b: {  	v3 =	vor.u32 v3, v4  }
0x7c: {  	v3 =	vperm.xlane v3, v0;
	_ =	sdelay $0x1  }
0x7d: {  	v3 =	vadd.s32 v1, v3;
	_ =	sdelay $0x3  }
0x7e: {  	s15 =	simm.s32 $0xCD00  }
0x7f: {  	[tilespmem:s15], [sflag:$0x1] =	stream.indirect_vreg.gather [hbm4b:s2+s3], $0x80, v3, vm0, $0xb8;
	[tilespmem:$0x1AD00] =	vst v63  }
0x80: {  	s16 =	simm.s32 $0xD500  }
0x81: {  	[tilespmem:s16], [sflag:$0x1] =	stream.indirect_vreg.gather [hbm4b:s5+s3], $0x80, v3, vm0, $0xb8;
	[tilespmem:$0x1AD00] =	vst v63  }
0x82: {  	v3 =	vld [tilespmem:$0x68];
	_ =	sdelay $0x4  }
0x83: {  	v57 =	vshll.u32 v3, $0x2  }
0x84: {  	v3 =	vand.u32 $0x7, v3;
	v4 =	vand.u32 $0xFFFFFFE0, v57  }
0x85: {  	v3 =	vor.u32 v3, v4  }
0x86: {  	v4 =	vperm.xlane v3, v0;
	_ =	sdelay $0x1  }
0x87: {  	v4 =	vadd.s32 v1, v4;
	_ =	sdelay $0x1  }
0x88: {  	v3 =	vperm.xlane v3, v2;
	_ =	sdelay $0x1  }
0x89: {  	v3 =	vadd.s32 v1, v3  }
0x8a: {  	[tilespmem:s10], [sflag:$0x2] =	stream.indirect_vreg.gather [hbm4b:s2+s3], $0x80, v4, vm0, $0xb8;
	[tilespmem:$0x1AD00] =	vst v63  }
0x8b: {  	_ = 	snop  }
0x8c: {  	[tilespmem:s17], [sflag:$0x2] =	stream.indirect_vreg.gather [hbm4b:s5+s3], $0x80, v4, vm0, $0xb8;
	[tilespmem:$0x1AD00] =	vst v63  }
0x8d: {  	s15 =	simm.s32 $0xED00  }
0x8e: {  	[tilespmem:s15], [sflag:$0x2] =	stream.indirect_vreg.gather [hbm4b:s2+s3], $0x80, v3, vm0, $0xb8;
	[tilespmem:$0x1AD00] =	vst v63  }
0x8f: {  	s16 =	simm.s32 $0xF500  }
0x90: {  	[tilespmem:s16], [sflag:$0x2] =	stream.indirect_vreg.gather [hbm4b:s5+s3], $0x80, v3, vm0, $0xb8;
	[tilespmem:$0x1AD00] =	vst v63  }
0x91: {  	v3 =	vld [tilespmem:$0x78];
	_ =	sdelay $0x4  }
0x92: {  	v58 =	vshll.u32 v3, $0x2  }
0x93: {  	v3 =	vand.u32 $0x7, v3;
	v4 =	vand.u32 $0xFFFFFFE0, v58  }
0x94: {  	v3 =	vor.u32 v3, v4  }
0x95: {  	v4 =	vperm.xlane v3, v0;
	_ =	sdelay $0x1  }
0x96: {  	v4 =	vadd.s32 v1, v4;
	_ =	sdelay $0x1  }
0x97: {  	v3 =	vperm.xlane v3, v2;
	_ =	sdelay $0x1  }
0x98: {  	s15 =	simm.s32 $0xFD00;
	v3 =	vadd.s32 v1, v3  }
0x99: {  	[tilespmem:s15], [sflag:$0x2] =	stream.indirect_vreg.gather [hbm4b:s2+s3], $0x80, v4, vm0, $0xb8;
	[tilespmem:$0x1AD00] =	vst v63  }
0x9a: {  	s16 =	simm.s32 $0x10500  }
0x9b: {  	[tilespmem:s16], [sflag:$0x2] =	stream.indirect_vreg.gather [hbm4b:s5+s3], $0x80, v4, vm0, $0xb8;
	[tilespmem:$0x1AD00] =	vst v63  }
0x9c: {  	s15 =	simm.s32 $0x10D00  }
0x9d: {  	[tilespmem:s15], [sflag:$0x2] =	stream.indirect_vreg.gather [hbm4b:s2+s3], $0x80, v3, vm0, $0xb8;
	[tilespmem:$0x1AD00] =	vst v63  }
0x9e: {  	s16 =	simm.s32 $0x11500  }
0x9f: {  	[tilespmem:s16], [sflag:$0x2] =	stream.indirect_vreg.gather [hbm4b:s5+s3], $0x80, v3, vm0, $0xb8;
	[tilespmem:$0x1AD00] =	vst v63  }
0xa0: {  	v3 =	vld [tilespmem:$0x88];
	_ =	sdelay $0x4  }
0xa1: {  	v59 =	vshll.u32 v3, $0x2  }
0xa2: {  	v3 =	vand.u32 $0x7, v3;
	v4 =	vand.u32 $0xFFFFFFE0, v59  }
0xa3: {  	v3 =	vor.u32 v3, v4  }
0xa4: {  	v4 =	vperm.xlane v3, v0;
	_ =	sdelay $0x1  }
0xa5: {  	v4 =	vadd.s32 v1, v4;
	_ =	sdelay $0x1  }
0xa6: {  	v3 =	vperm.xlane v3, v2;
	_ =	sdelay $0x1  }
0xa7: {  	v3 =	vadd.s32 v1, v3  }
0xa8: {  	[tilespmem:s18], [sflag:$0x2] =	stream.indirect_vreg.gather [hbm4b:s2+s3], $0x80, v4, vm0, $0xb8;
	[tilespmem:$0x1AD00] =	vst v63  }
0xa9: {  	_ = 	snop  }
0xaa: {  	[tilespmem:s19], [sflag:$0x2] =	stream.indirect_vreg.gather [hbm4b:s5+s3], $0x80, v4, vm0, $0xb8;
	[tilespmem:$0x1AD00] =	vst v63  }
0xab: {  	_ = 	snop  }
0xac: {  	[tilespmem:s20], [sflag:$0x2] =	stream.indirect_vreg.gather [hbm4b:s2+s3], $0x80, v3, vm0, $0xb8;
	[tilespmem:$0x1AD00] =	vst v63  }
0xad: {  	_ = 	snop  }
0xae: {  	[tilespmem:s21], [sflag:$0x2] =	stream.indirect_vreg.gather [hbm4b:s5+s3], $0x80, v3, vm0, $0xb8;
	[tilespmem:$0x1AD00] =	vst v63  }
0xaf: {  	v3 =	vld [tilespmem:$0x98];
	_ =	sdelay $0x4  }
0xb0: {  	v60 =	vshll.u32 v3, $0x2  }
0xb1: {  	v3 =	vand.u32 $0x7, v3;
	v4 =	vand.u32 $0xFFFFFFE0, v60  }
0xb2: {  	v3 =	vor.u32 v3, v4  }
0xb3: {  	v4 =	vperm.xlane v3, v0;
	_ =	sdelay $0x1  }
0xb4: {  	v4 =	vadd.s32 v1, v4;
	_ =	sdelay $0x1  }
0xb5: {  	v3 =	vperm.xlane v3, v2;
	_ =	sdelay $0x1  }
0xb6: {  	v3 =	vadd.s32 v1, v3  }
0xb7: {  	[tilespmem:s22], [sflag:$0x2] =	stream.indirect_vreg.gather [hbm4b:s2+s3], $0x80, v4, vm0, $0xb8;
	[tilespmem:$0x1AD00] =	vst v63  }
0xb8: {  	_ = 	snop  }
0xb9: {  	[tilespmem:s23], [sflag:$0x2] =	stream.indirect_vreg.gather [hbm4b:s5+s3], $0x80, v4, vm0, $0xb8;
	[tilespmem:$0x1AD00] =	vst v63  }
0xba: {  	_ = 	snop  }
0xbb: {  	[tilespmem:s24], [sflag:$0x2] =	stream.indirect_vreg.gather [hbm4b:s2+s3], $0x80, v3, vm0, $0xb8;
	[tilespmem:$0x1AD00] =	vst v63  }
0xbc: {  	_ = 	snop  }
0xbd: {  	[tilespmem:s25], [sflag:$0x2] =	stream.indirect_vreg.gather [hbm4b:s5+s3], $0x80, v3, vm0, $0xb8;
	[tilespmem:$0x1AD00] =	vst v63  }
0xbe: {  	v3 =	vld [tilespmem:$0xA8];
	_ =	sdelay $0x4  }
0xbf: {  	v61 =	vshll.u32 v3, $0x2  }
0xc0: {  	v3 =	vand.u32 $0x7, v3;
	v4 =	vand.u32 $0xFFFFFFE0, v61  }
0xc1: {  	v3 =	vor.u32 v3, v4  }
0xc2: {  	v4 =	vperm.xlane v3, v0;
	_ =	sdelay $0x1  }
0xc3: {  	v4 =	vadd.s32 v1, v4;
	_ =	sdelay $0x1  }
0xc4: {  	v3 =	vperm.xlane v3, v2;
	_ =	sdelay $0x1  }
0xc5: {  	v3 =	vadd.s32 v1, v3  }
0xc6: {  	[tilespmem:s26], [sflag:$0x2] =	stream.indirect_vreg.gather [hbm4b:s2+s3], $0x80, v4, vm0, $0xb8;
	[tilespmem:$0x1AD00] =	vst v63  }
0xc7: {  	_ = 	snop  }
0xc8: {  	[tilespmem:s28], [sflag:$0x2] =	stream.indirect_vreg.gather [hbm4b:s5+s3], $0x80, v4, vm0, $0xb8;
	[tilespmem:$0x1AD00] =	vst v63  }
0xc9: {  	_ = 	snop  }
0xca: {  	[tilespmem:s29], [sflag:$0x2] =	stream.indirect_vreg.gather [hbm4b:s2+s3], $0x80, v3, vm0, $0xb8;
	[tilespmem:$0x1AD00] =	vst v63  }
0xcb: {  	_ = 	snop  }
0xcc: {  	[tilespmem:s30], [sflag:$0x2] =	stream.indirect_vreg.gather [hbm4b:s5+s3], $0x80, v3, vm0, $0xb8;
	[tilespmem:$0x1AD00] =	vst v63  }
0xcd: {  	v3 =	vld [tilespmem:$0xB8];
	_ =	sdelay $0x4  }
0xce: {  	v62 =	vshll.u32 v3, $0x2  }
0xcf: {  	v3 =	vand.u32 $0x7, v3;
	v4 =	vand.u32 $0xFFFFFFE0, v62  }
0xd0: {  	v3 =	vor.u32 v3, v4  }
0xd1: {  	v4 =	vperm.xlane v3, v0;
	_ =	sdelay $0x1  }
0xd2: {  	v4 =	vadd.s32 v1, v4;
	_ =	sdelay $0x1  }
0xd3: {  	v3 =	vperm.xlane v3, v2;
	_ =	sdelay $0x1  }
0xd4: {  	v3 =	vadd.s32 v1, v3  }
0xd5: {  	[tilespmem:s31], [sflag:$0x2] =	stream.indirect_vreg.gather [hbm4b:s2+s3], $0x80, v4, vm0, $0xb8;
	[tilespmem:$0x1AD00] =	vst v63  }
0xd6: {  	_ = 	snop  }
0xd7: {  	[tilespmem:s1], [sflag:$0x2] =	stream.indirect_vreg.gather [hbm4b:s5+s3], $0x80, v4, vm0, $0xb8;
	[tilespmem:$0x1AD00] =	vst v63  }
0xd8: {  	_ = 	snop  }
0xd9: {  	[tilespmem:s0], [sflag:$0x2] =	stream.indirect_vreg.gather [hbm4b:s2+s3], $0x80, v3, vm0, $0xb8;
	[tilespmem:$0x1AD00] =	vst v63  }
0xda: {  	_ = 	snop  }
0xdb: {  	[tilespmem:s4], [sflag:$0x2] =	stream.indirect_vreg.gather [hbm4b:s5+s3], $0x80, v3, vm0, $0xb8;
	[tilespmem:$0x1AD00] =	vst v63  }
0xdc: {  	v3 =	vld.msk [tilespmem:$0xC8], $0xff;
	_ =	sdelay $0x4  }
0xdd: {  	v63 =	vshll.u32 v3, $0x2  }
0xde: {  	v3 =	vand.u32 $0x7, v3;
	v4 =	vand.u32 $0xFFFFFFE0, v63  }
0xdf: {  	v3 =	vor.u32 v3, v4  }
0xe0: {  	v3 =	vperm.xlane v3, v0;
	_ =	sdelay $0x1  }
0xe1: {  	v3 =	vadd.s32 v1, v3;
	_ =	sdelay $0x4  }
0xe2: {  	[tilespmem:s6], [sflag:$0x2] =	stream.indirect_vreg.gather [hbm4b:s2+s3], $0x80, v3, vm0, $0xb8;
	[tilespmem:$0x1AD00] =	vst v63  }
0xe3: {  	s14 =	simm.s32 $0x198;
	s15 =	simm.s32 $0x0  }
0xe4: {  	[tilespmem:s11], [sflag:$0x2] =	stream.indirect_vreg.gather [hbm4b:s5+s3], $0x80, v3, vm0, $0xb8;
	[tilespmem:$0x1AD00] =	vst v63  }
.LBB2_2:
0xe5: {  	_ =	swait.ge [sflag:s12], $0xD000  }
0xe6: {  	p0 =	seq.s32 s15, $0x30C00;
	[sflag:s12] =	ssyncset.done $0x0  }
.Ltmp2:
0xe7: {  	s16 =	sadd.s32 s15, s7;
	[sflag:s12] =	ssyncadd.s32 $0xFFFF3000;
	(pc) =	sbr.rel @p0 .LBB2_4-.Ltmp2, $4  }
0xe8: {  	[hbm4b:s16+s3] =	stream.linear.scatter [tilespmem:s9], [sflag:$0x3], $0xD000, $0x38;
	[tilespmem:$0x1AD00] =	vst v63  }
0xe9: {  	_ =	swait.ge [sflag:s8], $0xD000  }
0xea: {  	[sflag:s8] =	ssyncset.done $0x0  }
0xeb: {  	[sflag:s8] =	ssyncadd.s32 $0xFFFF3000  }
0xec: {  	v3 =	vld [tilespmem:s14+$0xFFFFFF38];
	_ =	sdelay $0x4  }
0xed: {  	v4 =	vshll.u32 v3, $0x2  }
0xee: {  	v3 =	vand.u32 $0x7, v3;
	v4 =	vand.u32 $0xFFFFFFE0, v4  }
0xef: {  	v3 =	vor.u32 v3, v4  }
0xf0: {  	v4 =	vperm.xlane v3, v0;
	_ =	sdelay $0x1  }
0xf1: {  	v4 =	vadd.s32 v1, v4;
	_ =	sdelay $0x1  }
0xf2: {  	v3 =	vperm.xlane v3, v2;
	_ =	sdelay $0x1  }
0xf3: {  	v3 =	vadd.s32 v1, v3  }
0xf4: {  	[tilespmem:s9], [sflag:$0x1] =	stream.indirect_vreg.gather [hbm4b:s2+s3], $0x80, v4, vm0, $0xb8;
	[tilespmem:$0x1AD00] =	vst v63  }
0xf5: {  	s17 =	simm.s32 $0x1500  }
0xf6: {  	[tilespmem:s17], [sflag:$0x1] =	stream.indirect_vreg.gather [hbm4b:s5+s3], $0x80, v4, vm0, $0xb8;
	[tilespmem:$0x1AD00] =	vst v63  }
0xf7: {  	s17 =	simm.s32 $0x1D00  }
0xf8: {  	[tilespmem:s17], [sflag:$0x1] =	stream.indirect_vreg.gather [hbm4b:s2+s3], $0x80, v3, vm0, $0xb8;
	[tilespmem:$0x1AD00] =	vst v63  }
0xf9: {  	s17 =	simm.s32 $0x2500  }
0xfa: {  	[tilespmem:s17], [sflag:$0x1] =	stream.indirect_vreg.gather [hbm4b:s5+s3], $0x80, v3, vm0, $0xb8;
	[tilespmem:$0x1AD00] =	vst v63  }
0xfb: {  	v3 =	vld [tilespmem:s14+$0xFFFFFF48];
	_ =	sdelay $0x4  }
0xfc: {  	v58 =	vshll.u32 v3, $0x2  }
0xfd: {  	v3 =	vand.u32 $0x7, v3;
	v4 =	vand.u32 $0xFFFFFFE0, v58  }
0xfe: {  	v3 =	vor.u32 v3, v4  }
0xff: {  	v4 =	vperm.xlane v3, v0;
	_ =	sdelay $0x1  }
0x100: {  	v4 =	vadd.s32 v1, v4;
	_ =	sdelay $0x1  }
0x101: {  	v3 =	vperm.xlane v3, v2;
	_ =	sdelay $0x1  }
0x102: {  	s17 =	simm.s32 $0x2D00;
	v3 =	vadd.s32 v1, v3  }
0x103: {  	[tilespmem:s17], [sflag:$0x1] =	stream.indirect_vreg.gather [hbm4b:s2+s3], $0x80, v4, vm0, $0xb8;
	[tilespmem:$0x1AD00] =	vst v63  }
0x104: {  	s17 =	simm.s32 $0x3500  }
0x105: {  	[tilespmem:s17], [sflag:$0x1] =	stream.indirect_vreg.gather [hbm4b:s5+s3], $0x80, v4, vm0, $0xb8;
	[tilespmem:$0x1AD00] =	vst v63  }
0x106: {  	s17 =	simm.s32 $0x3D00  }
0x107: {  	[tilespmem:s17], [sflag:$0x1] =	stream.indirect_vreg.gather [hbm4b:s2+s3], $0x80, v3, vm0, $0xb8;
	[tilespmem:$0x1AD00] =	vst v63  }
0x108: {  	s17 =	simm.s32 $0x4500  }
0x109: {  	[tilespmem:s17], [sflag:$0x1] =	stream.indirect_vreg.gather [hbm4b:s5+s3], $0x80, v3, vm0, $0xb8;
	[tilespmem:$0x1AD00] =	vst v63  }
0x10a: {  	v3 =	vld [tilespmem:s14+$0xFFFFFF58];
	_ =	sdelay $0x4  }
0x10b: {  	v59 =	vshll.u32 v3, $0x2  }
0x10c: {  	v3 =	vand.u32 $0x7, v3;
	v4 =	vand.u32 $0xFFFFFFE0, v59  }
0x10d: {  	v3 =	vor.u32 v3, v4  }
0x10e: {  	v4 =	vperm.xlane v3, v0;
	_ =	sdelay $0x1  }
0x10f: {  	v4 =	vadd.s32 v1, v4;
	_ =	sdelay $0x1  }
0x110: {  	v3 =	vperm.xlane v3, v2;
	_ =	sdelay $0x1  }
0x111: {  	s17 =	simm.s32 $0x4D00;
	v3 =	vadd.s32 v1, v3  }
0x112: {  	[tilespmem:s17], [sflag:$0x1] =	stream.indirect_vreg.gather [hbm4b:s2+s3], $0x80, v4, vm0, $0xb8;
	[tilespmem:$0x1AD00] =	vst v63  }
0x113: {  	s17 =	simm.s32 $0x5500  }
0x114: {  	[tilespmem:s17], [sflag:$0x1] =	stream.indirect_vreg.gather [hbm4b:s5+s3], $0x80, v4, vm0, $0xb8;
	[tilespmem:$0x1AD00] =	vst v63  }
0x115: {  	s17 =	simm.s32 $0x5D00  }
0x116: {  	[tilespmem:s17], [sflag:$0x1] =	stream.indirect_vreg.gather [hbm4b:s2+s3], $0x80, v3, vm0, $0xb8;
	[tilespmem:$0x1AD00] =	vst v63  }
0x117: {  	s17 =	simm.s32 $0x6500  }
0x118: {  	[tilespmem:s17], [sflag:$0x1] =	stream.indirect_vreg.gather [hbm4b:s5+s3], $0x80, v3, vm0, $0xb8;
	[tilespmem:$0x1AD00] =	vst v63  }
0x119: {  	v3 =	vld [tilespmem:s14+$0xFFFFFF68];
	_ =	sdelay $0x4  }
0x11a: {  	v60 =	vshll.u32 v3, $0x2  }
0x11b: {  	v3 =	vand.u32 $0x7, v3;
	v4 =	vand.u32 $0xFFFFFFE0, v60  }
0x11c: {  	v3 =	vor.u32 v3, v4  }
0x11d: {  	v4 =	vperm.xlane v3, v0;
	_ =	sdelay $0x1  }
0x11e: {  	v4 =	vadd.s32 v1, v4;
	_ =	sdelay $0x1  }
0x11f: {  	v3 =	vperm.xlane v3, v2;
	_ =	sdelay $0x1  }
0x120: {  	s17 =	simm.s32 $0x6D00;
	v3 =	vadd.s32 v1, v3  }
0x121: {  	[tilespmem:s17], [sflag:$0x1] =	stream.indirect_vreg.gather [hbm4b:s2+s3], $0x80, v4, vm0, $0xb8;
	[tilespmem:$0x1AD00] =	vst v63  }
0x122: {  	s17 =	simm.s32 $0x7500  }
0x123: {  	[tilespmem:s17], [sflag:$0x1] =	stream.indirect_vreg.gather [hbm4b:s5+s3], $0x80, v4, vm0, $0xb8;
	[tilespmem:$0x1AD00] =	vst v63  }
0x124: {  	s17 =	simm.s32 $0x7D00  }
0x125: {  	[tilespmem:s17], [sflag:$0x1] =	stream.indirect_vreg.gather [hbm4b:s2+s3], $0x80, v3, vm0, $0xb8;
	[tilespmem:$0x1AD00] =	vst v63  }
0x126: {  	s17 =	simm.s32 $0x8500  }
0x127: {  	[tilespmem:s17], [sflag:$0x1] =	stream.indirect_vreg.gather [hbm4b:s5+s3], $0x80, v3, vm0, $0xb8;
	[tilespmem:$0x1AD00] =	vst v63  }
0x128: {  	v3 =	vld [tilespmem:s14+$0xFFFFFF78];
	_ =	sdelay $0x4  }
0x129: {  	v61 =	vshll.u32 v3, $0x2  }
0x12a: {  	v3 =	vand.u32 $0x7, v3;
	v4 =	vand.u32 $0xFFFFFFE0, v61  }
0x12b: {  	v3 =	vor.u32 v3, v4  }
0x12c: {  	v4 =	vperm.xlane v3, v0;
	_ =	sdelay $0x1  }
0x12d: {  	v4 =	vadd.s32 v1, v4;
	_ =	sdelay $0x1  }
0x12e: {  	v3 =	vperm.xlane v3, v2;
	_ =	sdelay $0x1  }
0x12f: {  	s17 =	simm.s32 $0x8D00;
	v3 =	vadd.s32 v1, v3  }
0x130: {  	[tilespmem:s17], [sflag:$0x1] =	stream.indirect_vreg.gather [hbm4b:s2+s3], $0x80, v4, vm0, $0xb8;
	[tilespmem:$0x1AD00] =	vst v63  }
0x131: {  	s17 =	simm.s32 $0x9500  }
0x132: {  	[tilespmem:s17], [sflag:$0x1] =	stream.indirect_vreg.gather [hbm4b:s5+s3], $0x80, v4, vm0, $0xb8;
	[tilespmem:$0x1AD00] =	vst v63  }
0x133: {  	s17 =	simm.s32 $0x9D00  }
0x134: {  	[tilespmem:s17], [sflag:$0x1] =	stream.indirect_vreg.gather [hbm4b:s2+s3], $0x80, v3, vm0, $0xb8;
	[tilespmem:$0x1AD00] =	vst v63  }
0x135: {  	s17 =	simm.s32 $0xA500  }
0x136: {  	[tilespmem:s17], [sflag:$0x1] =	stream.indirect_vreg.gather [hbm4b:s5+s3], $0x80, v3, vm0, $0xb8;
	[tilespmem:$0x1AD00] =	vst v63  }
0x137: {  	v3 =	vld [tilespmem:s14+$0xFFFFFF88];
	_ =	sdelay $0x4  }
0x138: {  	v62 =	vshll.u32 v3, $0x2  }
0x139: {  	v3 =	vand.u32 $0x7, v3;
	v4 =	vand.u32 $0xFFFFFFE0, v62  }
0x13a: {  	v3 =	vor.u32 v3, v4  }
0x13b: {  	v4 =	vperm.xlane v3, v0;
	_ =	sdelay $0x1  }
0x13c: {  	v4 =	vadd.s32 v1, v4;
	_ =	sdelay $0x1  }
0x13d: {  	v3 =	vperm.xlane v3, v2;
	_ =	sdelay $0x1  }
0x13e: {  	s17 =	simm.s32 $0xAD00;
	v3 =	vadd.s32 v1, v3  }
0x13f: {  	[tilespmem:s17], [sflag:$0x1] =	stream.indirect_vreg.gather [hbm4b:s2+s3], $0x80, v4, vm0, $0xb8;
	[tilespmem:$0x1AD00] =	vst v63  }
0x140: {  	s17 =	simm.s32 $0xB500  }
0x141: {  	[tilespmem:s17], [sflag:$0x1] =	stream.indirect_vreg.gather [hbm4b:s5+s3], $0x80, v4, vm0, $0xb8;
	[tilespmem:$0x1AD00] =	vst v63  }
0x142: {  	s17 =	simm.s32 $0xBD00  }
0x143: {  	[tilespmem:s17], [sflag:$0x1] =	stream.indirect_vreg.gather [hbm4b:s2+s3], $0x80, v3, vm0, $0xb8;
	[tilespmem:$0x1AD00] =	vst v63  }
0x144: {  	s17 =	simm.s32 $0xC500  }
0x145: {  	[tilespmem:s17], [sflag:$0x1] =	stream.indirect_vreg.gather [hbm4b:s5+s3], $0x80, v3, vm0, $0xb8;
	[tilespmem:$0x1AD00] =	vst v63  }
0x146: {  	v3 =	vld.msk [tilespmem:s14+$0xFFFFFF98], $0xff;
	_ =	sdelay $0x4  }
0x147: {  	v63 =	vshll.u32 v3, $0x2  }
0x148: {  	v3 =	vand.u32 $0x7, v3;
	v4 =	vand.u32 $0xFFFFFFE0, v63  }
0x149: {  	v3 =	vor.u32 v3, v4  }
0x14a: {  	v3 =	vperm.xlane v3, v0;
	_ =	sdelay $0x1  }
0x14b: {  	v3 =	vadd.s32 v1, v3;
	_ =	sdelay $0x3  }
0x14c: {  	s17 =	simm.s32 $0xCD00  }
0x14d: {  	[tilespmem:s17], [sflag:$0x1] =	stream.indirect_vreg.gather [hbm4b:s2+s3], $0x80, v3, vm0, $0xb8;
	[tilespmem:$0x1AD00] =	vst v63  }
0x14e: {  	s17 =	simm.s32 $0xD500  }
0x14f: {  	[tilespmem:s17], [sflag:$0x1] =	stream.indirect_vreg.gather [hbm4b:s5+s3], $0x80, v3, vm0, $0xb8;
	[tilespmem:$0x1AD00] =	vst v63  }
0x150: {  	s17 =	simm.s32 $0xE500  }
.LBB2_4:
0x151: {  	_ =	swait.ge [sflag:s13], $0xD000  }
0x152: {  	[sflag:s13] =	ssyncset.done $0x0  }
.Ltmp3:
0x153: {  	s16 =	sadd.s32 $0x1A00, s16;
	[sflag:s13] =	ssyncadd.s32 $0xFFFF3000;
	(pc) =	sbr.rel @p0 .LBB2_6-.Ltmp3, $4  }
0x154: {  	[hbm4b:s16+s3] =	stream.linear.scatter [tilespmem:s10], [sflag:$0x3], $0xD000, $0x38;
	[tilespmem:$0x1AD00] =	vst v63  }
0x155: {  	_ =	swait.ge [sflag:s8], $0xD000  }
0x156: {  	[sflag:s8] =	ssyncset.done $0x0  }
0x157: {  	[sflag:s8] =	ssyncadd.s32 $0xFFFF3000  }
0x158: {  	v3 =	vld [tilespmem:s14+$0xFFFFFFA0];
	_ =	sdelay $0x4  }
0x159: {  	v4 =	vshll.u32 v3, $0x2  }
0x15a: {  	v3 =	vand.u32 $0x7, v3;
	v4 =	vand.u32 $0xFFFFFFE0, v4  }
0x15b: {  	v3 =	vor.u32 v3, v4  }
0x15c: {  	v4 =	vperm.xlane v3, v0;
	_ =	sdelay $0x1  }
0x15d: {  	v4 =	vadd.s32 v1, v4;
	_ =	sdelay $0x1  }
0x15e: {  	v3 =	vperm.xlane v3, v2;
	_ =	sdelay $0x1  }
0x15f: {  	v3 =	vadd.s32 v1, v3  }
0x160: {  	[tilespmem:s10], [sflag:$0x2] =	stream.indirect_vreg.gather [hbm4b:s2+s3], $0x80, v4, vm0, $0xb8;
	[tilespmem:$0x1AD00] =	vst v63  }
0x161: {  	_ = 	snop  }
0x162: {  	[tilespmem:s17], [sflag:$0x2] =	stream.indirect_vreg.gather [hbm4b:s5+s3], $0x80, v4, vm0, $0xb8;
	[tilespmem:$0x1AD00] =	vst v63  }
0x163: {  	s16 =	simm.s32 $0xED00  }
0x164: {  	[tilespmem:s16], [sflag:$0x2] =	stream.indirect_vreg.gather [hbm4b:s2+s3], $0x80, v3, vm0, $0xb8;
	[tilespmem:$0x1AD00] =	vst v63  }
0x165: {  	s16 =	simm.s32 $0xF500  }
0x166: {  	[tilespmem:s16], [sflag:$0x2] =	stream.indirect_vreg.gather [hbm4b:s5+s3], $0x80, v3, vm0, $0xb8;
	[tilespmem:$0x1AD00] =	vst v63  }
0x167: {  	v3 =	vld [tilespmem:s14+$0xFFFFFFB0];
	_ =	sdelay $0x4  }
0x168: {  	v58 =	vshll.u32 v3, $0x2  }
0x169: {  	v3 =	vand.u32 $0x7, v3;
	v4 =	vand.u32 $0xFFFFFFE0, v58  }
0x16a: {  	v3 =	vor.u32 v3, v4  }
0x16b: {  	v4 =	vperm.xlane v3, v0;
	_ =	sdelay $0x1  }
0x16c: {  	v4 =	vadd.s32 v1, v4;
	_ =	sdelay $0x1  }
0x16d: {  	v3 =	vperm.xlane v3, v2;
	_ =	sdelay $0x1  }
0x16e: {  	s16 =	simm.s32 $0xFD00;
	v3 =	vadd.s32 v1, v3  }
0x16f: {  	[tilespmem:s16], [sflag:$0x2] =	stream.indirect_vreg.gather [hbm4b:s2+s3], $0x80, v4, vm0, $0xb8;
	[tilespmem:$0x1AD00] =	vst v63  }
0x170: {  	s16 =	simm.s32 $0x10500  }
0x171: {  	[tilespmem:s16], [sflag:$0x2] =	stream.indirect_vreg.gather [hbm4b:s5+s3], $0x80, v4, vm0, $0xb8;
	[tilespmem:$0x1AD00] =	vst v63  }
0x172: {  	s16 =	simm.s32 $0x10D00  }
0x173: {  	[tilespmem:s16], [sflag:$0x2] =	stream.indirect_vreg.gather [hbm4b:s2+s3], $0x80, v3, vm0, $0xb8;
	[tilespmem:$0x1AD00] =	vst v63  }
0x174: {  	s16 =	simm.s32 $0x11500  }
0x175: {  	[tilespmem:s16], [sflag:$0x2] =	stream.indirect_vreg.gather [hbm4b:s5+s3], $0x80, v3, vm0, $0xb8;
	[tilespmem:$0x1AD00] =	vst v63  }
0x176: {  	v3 =	vld [tilespmem:s14+$0xFFFFFFC0];
	_ =	sdelay $0x4  }
0x177: {  	v59 =	vshll.u32 v3, $0x2  }
0x178: {  	v3 =	vand.u32 $0x7, v3;
	v4 =	vand.u32 $0xFFFFFFE0, v59  }
0x179: {  	v3 =	vor.u32 v3, v4  }
0x17a: {  	v4 =	vperm.xlane v3, v0;
	_ =	sdelay $0x1  }
0x17b: {  	v4 =	vadd.s32 v1, v4;
	_ =	sdelay $0x1  }
0x17c: {  	v3 =	vperm.xlane v3, v2;
	_ =	sdelay $0x1  }
0x17d: {  	v3 =	vadd.s32 v1, v3  }
0x17e: {  	[tilespmem:s18], [sflag:$0x2] =	stream.indirect_vreg.gather [hbm4b:s2+s3], $0x80, v4, vm0, $0xb8;
	[tilespmem:$0x1AD00] =	vst v63  }
0x17f: {  	_ = 	snop  }
0x180: {  	[tilespmem:s19], [sflag:$0x2] =	stream.indirect_vreg.gather [hbm4b:s5+s3], $0x80, v4, vm0, $0xb8;
	[tilespmem:$0x1AD00] =	vst v63  }
0x181: {  	_ = 	snop  }
0x182: {  	[tilespmem:s20], [sflag:$0x2] =	stream.indirect_vreg.gather [hbm4b:s2+s3], $0x80, v3, vm0, $0xb8;
	[tilespmem:$0x1AD00] =	vst v63  }
0x183: {  	_ = 	snop  }
0x184: {  	[tilespmem:s21], [sflag:$0x2] =	stream.indirect_vreg.gather [hbm4b:s5+s3], $0x80, v3, vm0, $0xb8;
	[tilespmem:$0x1AD00] =	vst v63  }
0x185: {  	v3 =	vld [tilespmem:s14+$0xFFFFFFD0];
	_ =	sdelay $0x4  }
0x186: {  	v60 =	vshll.u32 v3, $0x2  }
0x187: {  	v3 =	vand.u32 $0x7, v3;
	v4 =	vand.u32 $0xFFFFFFE0, v60  }
0x188: {  	v3 =	vor.u32 v3, v4  }
0x189: {  	v4 =	vperm.xlane v3, v0;
	_ =	sdelay $0x1  }
0x18a: {  	v4 =	vadd.s32 v1, v4;
	_ =	sdelay $0x1  }
0x18b: {  	v3 =	vperm.xlane v3, v2;
	_ =	sdelay $0x1  }
0x18c: {  	v3 =	vadd.s32 v1, v3  }
0x18d: {  	[tilespmem:s22], [sflag:$0x2] =	stream.indirect_vreg.gather [hbm4b:s2+s3], $0x80, v4, vm0, $0xb8;
	[tilespmem:$0x1AD00] =	vst v63  }
0x18e: {  	_ = 	snop  }
0x18f: {  	[tilespmem:s23], [sflag:$0x2] =	stream.indirect_vreg.gather [hbm4b:s5+s3], $0x80, v4, vm0, $0xb8;
	[tilespmem:$0x1AD00] =	vst v63  }
0x190: {  	_ = 	snop  }
0x191: {  	[tilespmem:s24], [sflag:$0x2] =	stream.indirect_vreg.gather [hbm4b:s2+s3], $0x80, v3, vm0, $0xb8;
	[tilespmem:$0x1AD00] =	vst v63  }
0x192: {  	_ = 	snop  }
0x193: {  	[tilespmem:s25], [sflag:$0x2] =	stream.indirect_vreg.gather [hbm4b:s5+s3], $0x80, v3, vm0, $0xb8;
	[tilespmem:$0x1AD00] =	vst v63  }
0x194: {  	v3 =	vld [tilespmem:s14+$0xFFFFFFE0];
	_ =	sdelay $0x4  }
0x195: {  	v61 =	vshll.u32 v3, $0x2  }
0x196: {  	v3 =	vand.u32 $0x7, v3;
	v4 =	vand.u32 $0xFFFFFFE0, v61  }
0x197: {  	v3 =	vor.u32 v3, v4  }
0x198: {  	v4 =	vperm.xlane v3, v0;
	_ =	sdelay $0x1  }
0x199: {  	v4 =	vadd.s32 v1, v4;
	_ =	sdelay $0x1  }
0x19a: {  	v3 =	vperm.xlane v3, v2;
	_ =	sdelay $0x1  }
0x19b: {  	v3 =	vadd.s32 v1, v3  }
0x19c: {  	[tilespmem:s26], [sflag:$0x2] =	stream.indirect_vreg.gather [hbm4b:s2+s3], $0x80, v4, vm0, $0xb8;
	[tilespmem:$0x1AD00] =	vst v63  }
0x19d: {  	_ = 	snop  }
0x19e: {  	[tilespmem:s28], [sflag:$0x2] =	stream.indirect_vreg.gather [hbm4b:s5+s3], $0x80, v4, vm0, $0xb8;
	[tilespmem:$0x1AD00] =	vst v63  }
0x19f: {  	_ = 	snop  }
0x1a0: {  	[tilespmem:s29], [sflag:$0x2] =	stream.indirect_vreg.gather [hbm4b:s2+s3], $0x80, v3, vm0, $0xb8;
	[tilespmem:$0x1AD00] =	vst v63  }
0x1a1: {  	_ = 	snop  }
0x1a2: {  	[tilespmem:s30], [sflag:$0x2] =	stream.indirect_vreg.gather [hbm4b:s5+s3], $0x80, v3, vm0, $0xb8;
	[tilespmem:$0x1AD00] =	vst v63  }
0x1a3: {  	v3 =	vld [tilespmem:s14+$0xFFFFFFF0];
	_ =	sdelay $0x4  }
0x1a4: {  	v62 =	vshll.u32 v3, $0x2  }
0x1a5: {  	v3 =	vand.u32 $0x7, v3;
	v4 =	vand.u32 $0xFFFFFFE0, v62  }
0x1a6: {  	v3 =	vor.u32 v3, v4  }
0x1a7: {  	v4 =	vperm.xlane v3, v0;
	_ =	sdelay $0x1  }
0x1a8: {  	v4 =	vadd.s32 v1, v4;
	_ =	sdelay $0x1  }
0x1a9: {  	v3 =	vperm.xlane v3, v2;
	_ =	sdelay $0x1  }
0x1aa: {  	v3 =	vadd.s32 v1, v3  }
0x1ab: {  	[tilespmem:s31], [sflag:$0x2] =	stream.indirect_vreg.gather [hbm4b:s2+s3], $0x80, v4, vm0, $0xb8;
	[tilespmem:$0x1AD00] =	vst v63  }
0x1ac: {  	_ = 	snop  }
0x1ad: {  	[tilespmem:s1], [sflag:$0x2] =	stream.indirect_vreg.gather [hbm4b:s5+s3], $0x80, v4, vm0, $0xb8;
	[tilespmem:$0x1AD00] =	vst v63  }
0x1ae: {  	_ = 	snop  }
0x1af: {  	[tilespmem:s0], [sflag:$0x2] =	stream.indirect_vreg.gather [hbm4b:s2+s3], $0x80, v3, vm0, $0xb8;
	[tilespmem:$0x1AD00] =	vst v63  }
0x1b0: {  	_ = 	snop  }
0x1b1: {  	[tilespmem:s4], [sflag:$0x2] =	stream.indirect_vreg.gather [hbm4b:s5+s3], $0x80, v3, vm0, $0xb8;
	[tilespmem:$0x1AD00] =	vst v63  }
0x1b2: {  	v3 =	vld.msk [tilespmem:s14+$0x0], $0xff;
	_ =	sdelay $0x4  }
0x1b3: {  	v63 =	vshll.u32 v3, $0x2  }
0x1b4: {  	v3 =	vand.u32 $0x7, v3;
	v4 =	vand.u32 $0xFFFFFFE0, v63  }
0x1b5: {  	v3 =	vor.u32 v3, v4  }
0x1b6: {  	v3 =	vperm.xlane v3, v0;
	_ =	sdelay $0x1  }
0x1b7: {  	v3 =	vadd.s32 v1, v3;
	_ =	sdelay $0x2  }
.Ltmp4:
0x1b8: {  	_ = 	snop;
	(pc) =	sbr.rel .LBB2_2-.Ltmp4, $4  }
0x1b9: {  	_ = 	snop  }
0x1ba: {  	[tilespmem:s6], [sflag:$0x2] =	stream.indirect_vreg.gather [hbm4b:s2+s3], $0x80, v3, vm0, $0xb8;
	[tilespmem:$0x1AD00] =	vst v63  }
0x1bb: {  	s15 =	sadd.s32 $0x3400, s15;
	s14 =	sadd.s32 $0xD0, s14  }
0x1bc: {  	[tilespmem:s11], [sflag:$0x2] =	stream.indirect_vreg.gather [hbm4b:s5+s3], $0x80, v3, vm0, $0xb8;
	[tilespmem:$0x1AD00] =	vst v63  }
.LBB2_7:
0x1bd: {  	_ =	sfence.sel $0x180000  }
0x1be: {  	[bflag:$0x0] =	sbarrier.arrive $0xFFFF  }
0x1bf: {  	_ =	strace $0x90000047  }
0x1c0: {  	s0 =	stileid.u32;
	[bflag:$0x2] =	sbarrier.arrive $0xFFFF  }
0x1c1: {  	p0 =	sne.s32 s0, $0x0;
	s0 =	rddreg [dreg:$0x2]  }
0x1c2: {  	s0 =	sadd.s32 @!p0 $0x100000, s0  }
0x1c3: {  	[sflag:s0] =	ssyncadd.tile.s32 @!p0 $0x1;
	_ =	shalt  }
.Lfunc_end2:
_tile_overlayer_lowered:
.L_overlay_start_2:
0x1c4: {  	(tag) =	ssettag $0x2  }
0x1c5: {  	s0 =	rddreg [dreg:$0x0];
	s2 =	stileid.u32  }
0x1c6: {  	s1 =	rddreg [dreg:$0x1];
	p0 =	sne.s32 s2, $0x0  }
0x1c7: {  	s3 =	rddreg [dreg:$0x2];
	[bflag:$0x3] =	sbarrier.arrive $0xFFFF;
	s2 =	simm.s32 @!p0 $0x1C03  }
0x1c8: {  	[timem:s3], [sflag:s2] =	dma.local @!p0 [hbm:s0], s1  }
0x1c9: {  	s0 =	simm.s32 @!p0 $0x3  }
0x1ca: {  	_ =	swait.ge @!p0 [sflag:s0], s1  }
0x1cb: {  	s1 =	ssub.s32 @!p0 $0x0, s1;
	[sflag:s0] =	ssyncset.done @!p0 $0x0  }
0x1cc: {  	[sflag:s0] =	ssyncadd.s32 @!p0 s1  }
0x1cd: {  	[bflag:$0x3] =	sbarrier.arrive $0xFFFF  }
0x1ce: {  	_ =	shalt  }

</sc_bundles>
